<compile_context>
chip_gen: v7x
topology: tpu7x:2x2x1
jax: 0.10.2.dev20260603
libtpu: 0.0.44.dev20260713+nightly
codegen_flags: <defaults>
</compile_context>

<pallas_src>
import functools

import jax
import jax.numpy as jnp
from jax import lax
from jax.experimental import pallas as pl
from jax.experimental.pallas import tpu as pltpu
from jax.experimental.pallas import tpu_sc as plsc

N = 10000
E = 320000
F_IN = 128
HID = 64
NG = 128
NCLS = 10

NPAD = 10240
ROWS_PER_TILE = NPAD // 16
BLK = 128
NBLK = 79
EPW = NBLK * BLK
NWORK = 32
E_PAD = NWORK * EPW
CW = 16

_mesh = plsc.VectorSubcoreMesh(core_axis_name="c", subcore_axis_name="s")
_sc_params = pltpu.CompilerParams(use_tc_tiling_on_sc=False)


@functools.partial(
    pl.kernel,
    out_type=jax.ShapeDtypeStruct((2, NPAD, CW), jnp.float32),
    mesh=_mesh,
    compiler_params=_sc_params,
    scratch_types=[
        pltpu.VMEM((BLK,), jnp.int32),
        pltpu.VMEM((BLK, CW), jnp.float32),
        pltpu.VMEM((BLK, CW), jnp.float32),
        pltpu.VMEM_SHARED((NPAD, CW), jnp.float32),
    ],
)
def _count_kernel(d_hbm, out_hbm, d_v, ones_v, z_v, acc_sh):
    cid = lax.axis_index("c")
    sid = lax.axis_index("s")
    wid = cid * 16 + sid

    @pl.loop(0, BLK)
    def _(r):
        ones_v[r, :] = jnp.ones((CW,), jnp.float32)
        z_v[r, :] = jnp.zeros((CW,), jnp.float32)

    @pl.loop(0, ROWS_PER_TILE // BLK)
    def _(j):
        pltpu.sync_copy(z_v, acc_sh.at[pl.ds(sid * ROWS_PER_TILE + j * BLK, BLK)])

    plsc.subcore_barrier()
    base = wid * EPW

    @pl.loop(0, NBLK)
    def _(b):
        off = pl.multiple_of(base + b * BLK, 8)
        pltpu.sync_copy(d_hbm.at[pl.ds(off, BLK)], d_v)
        pltpu.sync_copy(ones_v, acc_sh.at[d_v], add=True)

    plsc.subcore_barrier()

    @pl.loop(0, ROWS_PER_TILE // BLK)
    def _(j):
        r0 = sid * ROWS_PER_TILE + j * BLK
        pltpu.sync_copy(acc_sh.at[pl.ds(r0, BLK)], out_hbm.at[cid, pl.ds(r0, BLK)])


@functools.partial(
    pl.kernel,
    out_type=jax.ShapeDtypeStruct((2, NPAD, HID), jnp.float32),
    mesh=_mesh,
    compiler_params=_sc_params,
    scratch_types=[
        pltpu.VMEM((BLK,), jnp.int32),
        pltpu.VMEM((BLK,), jnp.int32),
        pltpu.VMEM((BLK, HID), jnp.float32),
        pltpu.VMEM((BLK, HID), jnp.float32),
        pltpu.VMEM_SHARED((NPAD, HID), jnp.float32),
        pltpu.SemaphoreType.DMA,
    ],
)
def _edge_kernel(hs_hbm, s_hbm, d_hbm, out_hbm, s_v, d_v, rows_v, z_v, acc_sh, sem):
    cid = lax.axis_index("c")
    sid = lax.axis_index("s")
    wid = cid * 16 + sid

    @pl.loop(0, BLK)
    def _(r):
        for c4 in range(HID // 16):
            z_v[r, pl.ds(c4 * 16, 16)] = jnp.zeros((16,), jnp.float32)

    @pl.loop(0, ROWS_PER_TILE // BLK)
    def _(j):
        pltpu.sync_copy(z_v, acc_sh.at[pl.ds(sid * ROWS_PER_TILE + j * BLK, BLK)])

    plsc.subcore_barrier()
    base = wid * EPW

    @pl.loop(0, NBLK)
    def _(b):
        off = pl.multiple_of(base + b * BLK, 8)
        pltpu.sync_copy(s_hbm.at[pl.ds(off, BLK)], s_v)
        pltpu.sync_copy(d_hbm.at[pl.ds(off, BLK)], d_v)
        pltpu.async_copy(hs_hbm.at[s_v], rows_v, sem).wait()
        pltpu.sync_copy(rows_v, acc_sh.at[d_v], add=True)

    plsc.subcore_barrier()

    @pl.loop(0, ROWS_PER_TILE // BLK)
    def _(j):
        r0 = sid * ROWS_PER_TILE + j * BLK
        pltpu.sync_copy(acc_sh.at[pl.ds(r0, BLK)], out_hbm.at[cid, pl.ds(r0, BLK)])


def _bn(t):
    m = jnp.mean(t, axis=0, keepdims=True)
    v = jnp.mean((t - m) ** 2, axis=0, keepdims=True)
    return (t - m) * lax.rsqrt(v + 1e-5) + 1e-4


def _tc0_body(x_ref, w_ref, c0_ref, c1_ref, hs_ref, dis_ref):
    z = _bn(x_ref[...])
    h = jnp.dot(z, w_ref[...], preferred_element_type=jnp.float32)
    deg = c0_ref[...] + c1_ref[...] + 1.0
    dis = lax.rsqrt(deg)
    dis_ref[...] = dis
    hs_ref[...] = h * dis


def _tc0(x, W0, cnt0, cnt1):
    return pl.pallas_call(
        _tc0_body,
        out_shape=(
            jax.ShapeDtypeStruct((N, HID), jnp.float32),
            jax.ShapeDtypeStruct((N, 1), jnp.float32),
        ),
    )(x, W0, cnt0, cnt1)


def _tcmid_body(p_ref, hs_ref, dis_ref, b_ref, w_ref, out_ref):
    acc = p_ref[0, :N, :] + p_ref[1, :N, :] + hs_ref[...]
    a = jnp.maximum(dis_ref[...] * acc + b_ref[...], 0.0)
    z = _bn(a)
    h = jnp.dot(z, w_ref[...], preferred_element_type=jnp.float32)
    out_ref[...] = h * dis_ref[...]


def _tcmid(p, hs, dis, b, W):
    return pl.pallas_call(
        _tcmid_body,
        out_shape=jax.ShapeDtypeStruct((N, HID), jnp.float32),
    )(p, hs, dis, b, W)


def _tcend_body(p_ref, hs_ref, dis_ref, b_ref, batch_ref, wfc_ref, bfc_ref,
                wcls_ref, bcls_ref, out_ref):
    acc = p_ref[0, :N, :] + p_ref[1, :N, :] + hs_ref[...]
    a = jnp.maximum(dis_ref[...] * acc + b_ref[...], 0.0)
    gids = lax.broadcasted_iota(jnp.int32, (NG, 1), 0)
    onehot = (gids == batch_ref[...]).astype(jnp.float32)
    g = jnp.dot(onehot, a, preferred_element_type=jnp.float32)
    g = _bn(g)
    g = jnp.maximum(
        jnp.dot(g, wfc_ref[...], preferred_element_type=jnp.float32) + bfc_ref[...],
        0.0,
    )
    g = _bn(g)
    g = jnp.dot(g, wcls_ref[...], preferred_element_type=jnp.float32) + bcls_ref[...]
    mx = jnp.max(g, axis=-1, keepdims=True)
    out_ref[...] = g - mx - jnp.log(jnp.sum(jnp.exp(g - mx), axis=-1, keepdims=True))


def _tcend(p, hs, dis, b, batch_row, Wfc, bfc, Wcls, bcls):
    return pl.pallas_call(
        _tcend_body,
        out_shape=jax.ShapeDtypeStruct((NG, NCLS), jnp.float32),
    )(p, hs, dis, b, batch_row, Wfc, bfc, Wcls, bcls)


def kernel(x, edge_index, batch, device, W0, b0, W1, b1, W2, b2, Wfc, bfc, Wcls, bcls):
    src = edge_index[0]
    dst = edge_index[1]
    pad = E_PAD - E
    s_pad = jnp.concatenate([src, jnp.zeros((pad,), jnp.int32)])
    d_pad = jnp.concatenate([dst, jnp.full((pad,), N, jnp.int32)])

    cnt = _count_kernel(d_pad)
    cnt0 = cnt[0, :N, 0:1]
    cnt1 = cnt[1, :N, 0:1]

    hs0, dis = _tc0(x, W0, cnt0, cnt1)
    p0 = _edge_kernel(hs0, s_pad, d_pad)
    hs1 = _tcmid(p0, hs0, dis, b0.reshape(1, -1), W1)
    p1 = _edge_kernel(hs1, s_pad, d_pad)
    hs2 = _tcmid(p1, hs1, dis, b1.reshape(1, -1), W2)
    p2 = _edge_kernel(hs2, s_pad, d_pad)
    return _tcend(p2, hs2, dis, b2.reshape(1, -1), batch.reshape(1, -1),
                  Wfc, bfc.reshape(1, -1), Wcls, bcls.reshape(1, -1))

# --- scband reference (transcript-rebuilt; emitter-appended) ---
"""Pipeline reference for scband-net-66279935312282 (READ-ONLY COPY).

The authoritative reference and input builder live on the scoring server;
editing this copy changes nothing except your own understanding.
"""

import jax, jax.numpy as jnp
import numpy as np

N = 10000
E = 320000
F_IN = 128
HID = 64
NUM_CLASSES = 10
NUM_GRAPHS = 128


def _bn(x):
    # BatchNorm1d in training mode, weight=1, bias=1e-4 (per Net.__init__ constant init), eps=1e-5
    m = jnp.mean(x, axis=0)
    v = jnp.var(x, axis=0)
    return (x - m) / jnp.sqrt(v + 1e-5) * 1.0 + 1e-4


def _gcn(x, src, dst, W, b, n):
    # PyG GCNConv: add self-loops, symmetric deg^{-1/2} normalization, linear transform, scatter-add, bias
    loop = jnp.arange(n, dtype=src.dtype)
    s = jnp.concatenate([src, loop])
    d = jnp.concatenate([dst, loop])
    deg = jax.ops.segment_sum(jnp.ones(s.shape[0], x.dtype), d, num_segments=n)
    dis = jnp.where(deg > 0, 1.0 / jnp.sqrt(deg), 0.0)
    norm = dis[s] * dis[d]
    h = x @ W
    msg = h[s] * norm[:, None]
    return jax.ops.segment_sum(msg, d, num_segments=n) + b


def setup_inputs(seed: int = 0):
    key = jax.random.key(seed)
    ks = jax.random.split(key, 12)
    x = jax.random.normal(ks[0], (N, F_IN), dtype=jnp.float32)
    edge_index = jax.random.randint(ks[1], (2, E), 0, N, dtype=jnp.int32)
    batch = jnp.sort(jax.random.randint(ks[2], (N,), 0, NUM_GRAPHS, dtype=jnp.int32))
    W0 = jax.random.normal(ks[3], (F_IN, HID), jnp.float32) * 0.05
    b0 = jnp.zeros((HID,), jnp.float32)
    W1 = jax.random.normal(ks[4], (HID, HID), jnp.float32) * 0.05
    b1 = jnp.zeros((HID,), jnp.float32)
    W2 = jax.random.normal(ks[5], (HID, HID), jnp.float32) * 0.05
    b2 = jnp.zeros((HID,), jnp.float32)
    Wfc = jax.random.normal(ks[6], (HID, HID), jnp.float32) * 0.05
    bfc = jnp.zeros((HID,), jnp.float32)
    Wcls = jax.random.normal(ks[7], (HID, NUM_CLASSES), jnp.float32) * 0.05
    bcls = jnp.zeros((NUM_CLASSES,), jnp.float32)
    return {"x": x, "edge_index": edge_index, "batch": batch, "device": 0,
            "W0": W0, "b0": b0, "W1": W1, "b1": b1, "W2": W2, "b2": b2,
            "Wfc": Wfc, "bfc": bfc, "Wcls": Wcls, "bcls": bcls}


def reference(x, edge_index, batch, device, W0, b0, W1, b1, W2, b2, Wfc, bfc, Wcls, bcls):
    # Net.forward -> main_encoder.forward (residual=False, dropout=0.0, global_add_pool)
    src = edge_index[0]
    dst = edge_index[1]
    h = jax.nn.relu(_gcn(_bn(x), src, dst, W0, b0, N))
    h = jax.nn.relu(_gcn(_bn(h), src, dst, W1, b1, N))
    h = jax.nn.relu(_gcn(_bn(h), src, dst, W2, b2, N))
    g = jax.ops.segment_sum(h, batch, num_segments=NUM_GRAPHS)  # global_add_pool
    g = _bn(g)
    g = jax.nn.relu(g @ Wfc + bfc)
    g = _bn(g)
    g = g @ Wcls + bcls
    return jax.nn.log_softmax(g, axis=-1)

if __name__ == "__main__":
    import jax
    _d = setup_inputs()
    print(jax.jit(kernel)(*tuple(_d.values())))

</pallas_src>

<mosaic_0001>
#map = affine_map<(d0, d1) -> (0)>
#map1 = affine_map<(d0, d1) -> (0, 0, 0)>
module attributes {stable_mosaic.version = 14 : i64} {
  func.func @_count_kernel(%arg0: i32, %arg1: i32, %arg2: memref<323584xi32, #tpu.memory_space<hbm>>, %arg3: memref<2x10240x16xf32, #tpu.memory_space<hbm>>, %arg4: memref<128xi32, #tpu.memory_space<vmem>>, %arg5: memref<128x16xf32, #tpu.memory_space<vmem>>, %arg6: memref<128x16xf32, #tpu.memory_space<vmem>>, %arg7: memref<10240x16xf32, #tpu.memory_space<vmem_shared>>) attributes {dimension_semantics = [#tpu.dimension_semantics<core_parallel>, #tpu.dimension_semantics<subcore_parallel>], iteration_bounds = array<i64: 2, 16>, scalar_prefetch = 0 : i64, scratch_operands = 4 : i64, tpu.core_type = #tpu.core_type<sc_vector_subcore>, window_params = [{transform_indices = #map}, {transform_indices = #map1}]} {
    %mul3A = arith.constant 16 : i32
    %mul3A_0 = arith.muli %arg0, %mul3A : i32
    %add3A = arith.addi %mul3A_0, %arg1 : i32
    %scan3A = arith.constant 0 : i32
    %scan3A_1 = arith.constant 128 : i32
    %scan3A_2 = arith.addi %scan3A, %scan3A_1 : i32
    %scan3A_3 = arith.constant 1 : i32
    scf.for %scan3A_23 = %scan3A to %scan3A_2 step %scan3A_3  : i32 {
      %mul3A_24 = arith.constant 1 : i32
      %mul3A_25 = arith.muli %scan3A_23, %mul3A_24 : i32
      %add3A_26 = arith.constant 0 : i32
      %add3A_27 = arith.addi %add3A_26, %mul3A_25 : i32
      %broadcast_in_dim3A = arith.constant 1.000000e+00 : f32
      %broadcast_in_dim3A_28 = vector.broadcast %broadcast_in_dim3A : f32 to vector<16xf32>
      %swap3A = arith.index_cast %add3A_27 : i32 to index
      %swap3A_29 = arith.constant 0 : index
      %swap3A_30 = tpu.vector_load %arg5[%swap3A, %swap3A_29] {strides = array<i32>} : memref<128x16xf32, #tpu.memory_space<vmem>>, vector<1x16xf32>,
      %swap3A_31 = vector.shape_cast %swap3A_30 : vector<1x16xf32> to vector<16xf32>
      %swap3A_32 = vector.shape_cast %broadcast_in_dim3A_28 : vector<16xf32> to vector<1x16xf32>
      tpu.vector_store %arg5[%swap3A, %swap3A_29], %swap3A_32 {strides = array<i32>} : memref<128x16xf32, #tpu.memory_space<vmem>>, vector<1x16xf32>,
      %broadcast_in_dim3A_33 = arith.constant 0.000000e+00 : f32
      %broadcast_in_dim3A_34 = vector.broadcast %broadcast_in_dim3A_33 : f32 to vector<16xf32>
      %swap3A_35 = arith.index_cast %add3A_27 : i32 to index
      %swap3A_36 = arith.constant 0 : index
      %swap3A_37 = tpu.vector_load %arg6[%swap3A_35, %swap3A_36] {strides = array<i32>} : memref<128x16xf32, #tpu.memory_space<vmem>>, vector<1x16xf32>,
      %swap3A_38 = vector.shape_cast %swap3A_37 : vector<1x16xf32> to vector<16xf32>
      %swap3A_39 = vector.shape_cast %broadcast_in_dim3A_34 : vector<16xf32> to vector<1x16xf32>
      tpu.vector_store %arg6[%swap3A_35, %swap3A_36], %swap3A_39 {strides = array<i32>} : memref<128x16xf32, #tpu.memory_space<vmem>>, vector<1x16xf32>,
    }
    %scan3A_4 = arith.constant 128 : i32
    %scan3A_5 = arith.constant 0 : i32
    %scan3A_6 = arith.constant 5 : i32
    %scan3A_7 = arith.addi %scan3A_5, %scan3A_6 : i32
    %scan3A_8 = arith.constant 1 : i32
    scf.for %scan3A_23 = %scan3A_5 to %scan3A_7 step %scan3A_8  : i32 {
      %mul3A_24 = arith.constant 1 : i32
      %mul3A_25 = arith.muli %scan3A_23, %mul3A_24 : i32
      %add3A_26 = arith.constant 0 : i32
      %add3A_27 = arith.addi %add3A_26, %mul3A_25 : i32
      %mul3A_28 = arith.constant 640 : i32
      %mul3A_29 = arith.muli %arg1, %mul3A_28 : i32
      %mul3A_30 = arith.constant 128 : i32
      %mul3A_31 = arith.muli %add3A_27, %mul3A_30 : i32
      %add3A_32 = arith.addi %mul3A_29, %mul3A_31 : i32
      "tpu.region"() ({
        %run_scoped3A = tpu.sem_alloc : memref<!tpu.dma_semaphore, #tpu.memory_space<semaphore_mem>>
        %dma_start3A = arith.constant 0 : i32
        %dma_start3A_33 = tpu.memref_slice %arg7[%add3A_32, %dma_start3A] : memref<10240x16xf32, #tpu.memory_space<vmem_shared>> -> memref<128x16xf32, #tpu.memory_space<vmem_shared>>
        %dma_start3A_34 = arith.constant 0 : i32
        %dma_start3A_35 = tpu.memref_slice %arg7[%add3A_32, %dma_start3A_34] : memref<10240x16xf32, #tpu.memory_space<vmem_shared>> -> memref<128x16xf32, #tpu.memory_space<vmem_shared>>
        tpu.enqueue_dma source(%arg6 : memref<128x16xf32, #tpu.memory_space<vmem>>) target(%dma_start3A_35 : memref<128x16xf32, #tpu.memory_space<vmem_shared>>) target_semaphore(%run_scoped3A : memref<!tpu.dma_semaphore, #tpu.memory_space<semaphore_mem>>)
        %dma_wait3A = arith.constant 0 : i32
        %dma_wait3A_36 = tpu.memref_slice %arg7[%add3A_32, %dma_wait3A] : memref<10240x16xf32, #tpu.memory_space<vmem_shared>> -> memref<128x16xf32, #tpu.memory_space<vmem_shared>>
        %dma_wait3A_37 = arith.constant 0 : i32
        %dma_wait3A_38 = tpu.memref_slice %arg7[%add3A_32, %dma_wait3A_37] : memref<10240x16xf32, #tpu.memory_space<vmem_shared>> -> memref<128x16xf32, #tpu.memory_space<vmem_shared>>
        tpu.wait_dma2 semaphore(%run_scoped3A : memref<!tpu.dma_semaphore, #tpu.memory_space<semaphore_mem>>) src(%arg6 : memref<128x16xf32, #tpu.memory_space<vmem>>) dst(%dma_wait3A_38 : memref<128x16xf32, #tpu.memory_space<vmem_shared>>)
        tpu.yield
      }) : () -> ()
    }
    %scan3A_9 = arith.constant 5 : i32
    %barrier3A = arith.constant 0 : index
    tpu.barrier barrier_id(%barrier3A)
    %mul3A_10 = arith.constant 10112 : i32
    %mul3A_11 = arith.muli %add3A, %mul3A_10 : i32
    %scan3A_12 = arith.constant 0 : i32
    %scan3A_13 = arith.constant 79 : i32
    %scan3A_14 = arith.addi %scan3A_12, %scan3A_13 : i32
    %scan3A_15 = arith.constant 1 : i32
    scf.for %scan3A_23 = %scan3A_12 to %scan3A_14 step %scan3A_15  : i32 {
      %mul3A_24 = arith.constant 1 : i32
      %mul3A_25 = arith.muli %scan3A_23, %mul3A_24 : i32
      %add3A_26 = arith.constant 0 : i32
      %add3A_27 = arith.addi %add3A_26, %mul3A_25 : i32
      %mul3A_28 = arith.constant 128 : i32
      %mul3A_29 = arith.muli %add3A_27, %mul3A_28 : i32
      %add3A_30 = arith.addi %mul3A_11, %mul3A_29 : i32
      %multiple_of3A = tpu.assume_multiple %add3A_30, 8 : i32
      "tpu.region"() ({
        %run_scoped3A = tpu.sem_alloc : memref<!tpu.dma_semaphore, #tpu.memory_space<semaphore_mem>>
        %dma_start3A = tpu.memref_slice %arg2[%multiple_of3A] : memref<323584xi32, #tpu.memory_space<hbm>> -> memref<128xi32, #tpu.memory_space<hbm>>
        %dma_start3A_31 = tpu.memref_slice %arg2[%multiple_of3A] : memref<323584xi32, #tpu.memory_space<hbm>> -> memref<128xi32, #tpu.memory_space<hbm>>
        tpu.enqueue_dma source(%dma_start3A_31 : memref<128xi32, #tpu.memory_space<hbm>>) target(%arg4 : memref<128xi32, #tpu.memory_space<vmem>>) target_semaphore(%run_scoped3A : memref<!tpu.dma_semaphore, #tpu.memory_space<semaphore_mem>>)
        %dma_wait3A = tpu.memref_slice %arg2[%multiple_of3A] : memref<323584xi32, #tpu.memory_space<hbm>> -> memref<128xi32, #tpu.memory_space<hbm>>
        %dma_wait3A_32 = tpu.memref_slice %arg2[%multiple_of3A] : memref<323584xi32, #tpu.memory_space<hbm>> -> memref<128xi32, #tpu.memory_space<hbm>>
        tpu.wait_dma2 semaphore(%run_scoped3A : memref<!tpu.dma_semaphore, #tpu.memory_space<semaphore_mem>>) src(%dma_wait3A_32 : memref<128xi32, #tpu.memory_space<hbm>>) dst(%arg4 : memref<128xi32, #tpu.memory_space<vmem>>)
        tpu.yield
      }) : () -> ()
      "tpu.region"() ({
        %run_scoped3A = tpu.sem_alloc : memref<!tpu.dma_semaphore, #tpu.memory_space<semaphore_mem>>
        %dma_start3A = arith.constant 0 : i32
        %dma_start3A_31 = arith.constant 0 : i32
        %dma_start3A_32 = tpu.memref_slice %arg7[%dma_start3A, %dma_start3A_31] : memref<10240x16xf32, #tpu.memory_space<vmem_shared>> -> memref<10240x16xf32, #tpu.memory_space<vmem_shared>>
        tpu.enqueue_indirect_dma source(%arg5 : memref<128x16xf32, #tpu.memory_space<vmem>>) target(%dma_start3A_32 : memref<10240x16xf32, #tpu.memory_space<vmem_shared>>) offsets(%arg4 : memref<128xi32, #tpu.memory_space<vmem>>) semaphore(%run_scoped3A : memref<!tpu.dma_semaphore, #tpu.memory_space<semaphore_mem>>) {add = true}
        %dma_wait3A = arith.constant 0 : i32
        %dma_wait3A_33 = arith.constant 0 : i32
        %dma_wait3A_34 = tpu.memref_slice %arg7[%dma_wait3A, %dma_wait3A_33] : memref<10240x16xf32, #tpu.memory_space<vmem_shared>> -> memref<10240x16xf32, #tpu.memory_space<vmem_shared>>
        tpu.wait_indirect_dma semaphore(%run_scoped3A : memref<!tpu.dma_semaphore, #tpu.memory_space<semaphore_mem>>) src(%arg5 : memref<128x16xf32, #tpu.memory_space<vmem>>) dst(%dma_wait3A_34 : memref<10240x16xf32, #tpu.memory_space<vmem_shared>>)
        tpu.yield
      }) : () -> ()
    }
    %scan3A_16 = arith.constant 79 : i32
    %barrier3A_17 = arith.constant 0 : index
    tpu.barrier barrier_id(%barrier3A_17)
    %scan3A_18 = arith.constant 0 : i32
    %scan3A_19 = arith.constant 5 : i32
    %scan3A_20 = arith.addi %scan3A_18, %scan3A_19 : i32
    %scan3A_21 = arith.constant 1 : i32
    scf.for %scan3A_23 = %scan3A_18 to %scan3A_20 step %scan3A_21  : i32 {
      %mul3A_24 = arith.constant 1 : i32
      %mul3A_25 = arith.muli %scan3A_23, %mul3A_24 : i32
      %add3A_26 = arith.constant 0 : i32
      %add3A_27 = arith.addi %add3A_26, %mul3A_25 : i32
      %mul3A_28 = arith.constant 640 : i32
      %mul3A_29 = arith.muli %arg1, %mul3A_28 : i32
      %mul3A_30 = arith.constant 128 : i32
      %mul3A_31 = arith.muli %add3A_27, %mul3A_30 : i32
      %add3A_32 = arith.addi %mul3A_29, %mul3A_31 : i32
      "tpu.region"() ({
        %run_scoped3A = tpu.sem_alloc : memref<!tpu.dma_semaphore, #tpu.memory_space<semaphore_mem>>
        %dma_start3A = arith.constant 0 : i32
        %dma_start3A_33 = tpu.memref_slice %arg3[%arg0, %add3A_32, %dma_start3A] : memref<2x10240x16xf32, #tpu.memory_space<hbm>> -> memref<1x128x16xf32, #tpu.memory_space<hbm>>
        %dma_start3A_34 = tpu.memref_squeeze %dma_start3A_33 : memref<1x128x16xf32, #tpu.memory_space<hbm>> -> memref<128x16xf32, #tpu.memory_space<hbm>>
        %dma_start3A_35 = arith.constant 0 : i32
        %dma_start3A_36 = tpu.memref_slice %arg7[%add3A_32, %dma_start3A_35] : memref<10240x16xf32, #tpu.memory_space<vmem_shared>> -> memref<128x16xf32, #tpu.memory_space<vmem_shared>>
        tpu.enqueue_dma source(%dma_start3A_36 : memref<128x16xf32, #tpu.memory_space<vmem_shared>>) target(%dma_start3A_34 : memref<128x16xf32, #tpu.memory_space<hbm>>) target_semaphore(%run_scoped3A : memref<!tpu.dma_semaphore, #tpu.memory_space<semaphore_mem>>)
        %dma_wait3A = arith.constant 0 : i32
        %dma_wait3A_37 = tpu.memref_slice %arg3[%arg0, %add3A_32, %dma_wait3A] : memref<2x10240x16xf32, #tpu.memory_space<hbm>> -> memref<1x128x16xf32, #tpu.memory_space<hbm>>
        %dma_wait3A_38 = tpu.memref_squeeze %dma_wait3A_37 : memref<1x128x16xf32, #tpu.memory_space<hbm>> -> memref<128x16xf32, #tpu.memory_space<hbm>>
        %dma_wait3A_39 = arith.constant 0 : i32
        %dma_wait3A_40 = tpu.memref_slice %arg7[%add3A_32, %dma_wait3A_39] : memref<10240x16xf32, #tpu.memory_space<vmem_shared>> -> memref<128x16xf32, #tpu.memory_space<vmem_shared>>
        tpu.wait_dma2 semaphore(%run_scoped3A : memref<!tpu.dma_semaphore, #tpu.memory_space<semaphore_mem>>) src(%dma_wait3A_40 : memref<128x16xf32, #tpu.memory_space<vmem_shared>>) dst(%dma_wait3A_38 : memref<128x16xf32, #tpu.memory_space<hbm>>)
        tpu.yield
      }) : () -> ()
    }
    %scan3A_22 = arith.constant 5 : i32
    return
  }
}

#map = affine_map<(d0, d1) -> (0, 0)>
#map1 = affine_map<(d0, d1) -> (0)>
#map2 = affine_map<(d0, d1) -> (0, 0, 0)>
module attributes {stable_mosaic.version = 14 : i64} {
  func.func @_edge_kernel(%arg0: i32, %arg1: i32, %arg2: memref<10000x64xf32, #tpu.memory_space<hbm>>, %arg3: memref<323584xi32, #tpu.memory_space<hbm>>, %arg4: memref<323584xi32, #tpu.memory_space<hbm>>, %arg5: memref<2x10240x64xf32, #tpu.memory_space<hbm>>, %arg6: memref<128xi32, #tpu.memory_space<vmem>>, %arg7: memref<128xi32, #tpu.memory_space<vmem>>, %arg8: memref<128x64xf32, #tpu.memory_space<vmem>>, %arg9: memref<128x64xf32, #tpu.memory_space<vmem>>, %arg10: memref<10240x64xf32, #tpu.memory_space<vmem_shared>>, %arg11: memref<!tpu.dma_semaphore, #tpu.memory_space<semaphore_mem>>) attributes {dimension_semantics = [#tpu.dimension_semantics<core_parallel>, #tpu.dimension_semantics<subcore_parallel>], iteration_bounds = array<i64: 2, 16>, scalar_prefetch = 0 : i64, scratch_operands = 6 : i64, tpu.core_type = #tpu.core_type<sc_vector_subcore>, window_params = [{transform_indices = #map}, {transform_indices = #map1}, {transform_indices = #map1}, {transform_indices = #map2}]} {
    %mul3A = arith.constant 16 : i32
    %mul3A_0 = arith.muli %arg0, %mul3A : i32
    %add3A = arith.addi %mul3A_0, %arg1 : i32
    %scan3A = arith.constant 0 : i32
    %scan3A_1 = arith.constant 128 : i32
    %scan3A_2 = arith.addi %scan3A, %scan3A_1 : i32
    %scan3A_3 = arith.constant 1 : i32
    scf.for %scan3A_23 = %scan3A to %scan3A_2 step %scan3A_3  : i32 {
      %mul3A_24 = arith.constant 1 : i32
      %mul3A_25 = arith.muli %scan3A_23, %mul3A_24 : i32
      %add3A_26 = arith.constant 0 : i32
      %add3A_27 = arith.addi %add3A_26, %mul3A_25 : i32
      %broadcast_in_dim3A = arith.constant 0.000000e+00 : f32
      %broadcast_in_dim3A_28 = vector.broadcast %broadcast_in_dim3A : f32 to vector<16xf32>
      %swap3A = arith.index_cast %add3A_27 : i32 to index
      %swap3A_29 = arith.constant 0 : index
      %swap3A_30 = tpu.vector_load %arg9[%swap3A, %swap3A_29] {strides = array<i32>} : memref<128x64xf32, #tpu.memory_space<vmem>>, vector<1x16xf32>,
      %swap3A_31 = vector.shape_cast %swap3A_30 : vector<1x16xf32> to vector<16xf32>
      %swap3A_32 = vector.shape_cast %broadcast_in_dim3A_28 : vector<16xf32> to vector<1x16xf32>
      tpu.vector_store %arg9[%swap3A, %swap3A_29], %swap3A_32 {strides = array<i32>} : memref<128x64xf32, #tpu.memory_space<vmem>>, vector<1x16xf32>,
      %broadcast_in_dim3A_33 = arith.constant 0.000000e+00 : f32
      %broadcast_in_dim3A_34 = vector.broadcast %broadcast_in_dim3A_33 : f32 to vector<16xf32>
      %swap3A_35 = arith.index_cast %add3A_27 : i32 to index
      %swap3A_36 = arith.constant 16 : index
      %swap3A_37 = tpu.vector_load %arg9[%swap3A_35, %swap3A_36] {strides = array<i32>} : memref<128x64xf32, #tpu.memory_space<vmem>>, vector<1x16xf32>,
      %swap3A_38 = vector.shape_cast %swap3A_37 : vector<1x16xf32> to vector<16xf32>
      %swap3A_39 = vector.shape_cast %broadcast_in_dim3A_34 : vector<16xf32> to vector<1x16xf32>
      tpu.vector_store %arg9[%swap3A_35, %swap3A_36], %swap3A_39 {strides = array<i32>} : memref<128x64xf32, #tpu.memory_space<vmem>>, vector<1x16xf32>,
      %broadcast_in_dim3A_40 = arith.constant 0.000000e+00 : f32
      %broadcast_in_dim3A_41 = vector.broadcast %broadcast_in_dim3A_40 : f32 to vector<16xf32>
      %swap3A_42 = arith.index_cast %add3A_27 : i32 to index
      %swap3A_43 = arith.constant 32 : index
      %swap3A_44 = tpu.vector_load %arg9[%swap3A_42, %swap3A_43] {strides = array<i32>} : memref<128x64xf32, #tpu.memory_space<vmem>>, vector<1x16xf32>,
      %swap3A_45 = vector.shape_cast %swap3A_44 : vector<1x16xf32> to vector<16xf32>
      %swap3A_46 = vector.shape_cast %broadcast_in_dim3A_41 : vector<16xf32> to vector<1x16xf32>
      tpu.vector_store %arg9[%swap3A_42, %swap3A_43], %swap3A_46 {strides = array<i32>} : memref<128x64xf32, #tpu.memory_space<vmem>>, vector<1x16xf32>,
      %broadcast_in_dim3A_47 = arith.constant 0.000000e+00 : f32
      %broadcast_in_dim3A_48 = vector.broadcast %broadcast_in_dim3A_47 : f32 to vector<16xf32>
      %swap3A_49 = arith.index_cast %add3A_27 : i32 to index
      %swap3A_50 = arith.constant 48 : index
      %swap3A_51 = tpu.vector_load %arg9[%swap3A_49, %swap3A_50] {strides = array<i32>} : memref<128x64xf32, #tpu.memory_space<vmem>>, vector<1x16xf32>,
      %swap3A_52 = vector.shape_cast %swap3A_51 : vector<1x16xf32> to vector<16xf32>
      %swap3A_53 = vector.shape_cast %broadcast_in_dim3A_48 : vector<16xf32> to vector<1x16xf32>
      tpu.vector_store %arg9[%swap3A_49, %swap3A_50], %swap3A_53 {strides = array<i32>} : memref<128x64xf32, #tpu.memory_space<vmem>>, vector<1x16xf32>,
    }
    %scan3A_4 = arith.constant 128 : i32
    %scan3A_5 = arith.constant 0 : i32
    %scan3A_6 = arith.constant 5 : i32
    %scan3A_7 = arith.addi %scan3A_5, %scan3A_6 : i32
    %scan3A_8 = arith.constant 1 : i32
    scf.for %scan3A_23 = %scan3A_5 to %scan3A_7 step %scan3A_8  : i32 {
      %mul3A_24 = arith.constant 1 : i32
      %mul3A_25 = arith.muli %scan3A_23, %mul3A_24 : i32
      %add3A_26 = arith.constant 0 : i32
      %add3A_27 = arith.addi %add3A_26, %mul3A_25 : i32
      %mul3A_28 = arith.constant 640 : i32
      %mul3A_29 = arith.muli %arg1, %mul3A_28 : i32
      %mul3A_30 = arith.constant 128 : i32
      %mul3A_31 = arith.muli %add3A_27, %mul3A_30 : i32
      %add3A_32 = arith.addi %mul3A_29, %mul3A_31 : i32
      "tpu.region"() ({
        %run_scoped3A = tpu.sem_alloc : memref<!tpu.dma_semaphore, #tpu.memory_space<semaphore_mem>>
        %dma_start3A = arith.constant 0 : i32
        %dma_start3A_33 = tpu.memref_slice %arg10[%add3A_32, %dma_start3A] : memref<10240x64xf32, #tpu.memory_space<vmem_shared>> -> memref<128x64xf32, #tpu.memory_space<vmem_shared>>
        %dma_start3A_34 = arith.constant 0 : i32
        %dma_start3A_35 = tpu.memref_slice %arg10[%add3A_32, %dma_start3A_34] : memref<10240x64xf32, #tpu.memory_space<vmem_shared>> -> memref<128x64xf32, #tpu.memory_space<vmem_shared>>
        tpu.enqueue_dma source(%arg9 : memref<128x64xf32, #tpu.memory_space<vmem>>) target(%dma_start3A_35 : memref<128x64xf32, #tpu.memory_space<vmem_shared>>) target_semaphore(%run_scoped3A : memref<!tpu.dma_semaphore, #tpu.memory_space<semaphore_mem>>)
        %dma_wait3A = arith.constant 0 : i32
        %dma_wait3A_36 = tpu.memref_slice %arg10[%add3A_32, %dma_wait3A] : memref<10240x64xf32, #tpu.memory_space<vmem_shared>> -> memref<128x64xf32, #tpu.memory_space<vmem_shared>>
        %dma_wait3A_37 = arith.constant 0 : i32
        %dma_wait3A_38 = tpu.memref_slice %arg10[%add3A_32, %dma_wait3A_37] : memref<10240x64xf32, #tpu.memory_space<vmem_shared>> -> memref<128x64xf32, #tpu.memory_space<vmem_shared>>
        tpu.wait_dma2 semaphore(%run_scoped3A : memref<!tpu.dma_semaphore, #tpu.memory_space<semaphore_mem>>) src(%arg9 : memref<128x64xf32, #tpu.memory_space<vmem>>) dst(%dma_wait3A_38 : memref<128x64xf32, #tpu.memory_space<vmem_shared>>)
        tpu.yield
      }) : () -> ()
    }
    %scan3A_9 = arith.constant 5 : i32
    %barrier3A = arith.constant 0 : index
    tpu.barrier barrier_id(%barrier3A)
    %mul3A_10 = arith.constant 10112 : i32
    %mul3A_11 = arith.muli %add3A, %mul3A_10 : i32
    %scan3A_12 = arith.constant 0 : i32
    %scan3A_13 = arith.constant 79 : i32
    %scan3A_14 = arith.addi %scan3A_12, %scan3A_13 : i32
    %scan3A_15 = arith.constant 1 : i32
    scf.for %scan3A_23 = %scan3A_12 to %scan3A_14 step %scan3A_15  : i32 {
      %mul3A_24 = arith.constant 1 : i32
      %mul3A_25 = arith.muli %scan3A_23, %mul3A_24 : i32
      %add3A_26 = arith.constant 0 : i32
      %add3A_27 = arith.addi %add3A_26, %mul3A_25 : i32
      %mul3A_28 = arith.constant 128 : i32
      %mul3A_29 = arith.muli %add3A_27, %mul3A_28 : i32
      %add3A_30 = arith.addi %mul3A_11, %mul3A_29 : i32
      %multiple_of3A = tpu.assume_multiple %add3A_30, 8 : i32
      "tpu.region"() ({
        %run_scoped3A = tpu.sem_alloc : memref<!tpu.dma_semaphore, #tpu.memory_space<semaphore_mem>>
        %dma_start3A_35 = tpu.memref_slice %arg3[%multiple_of3A] : memref<323584xi32, #tpu.memory_space<hbm>> -> memref<128xi32, #tpu.memory_space<hbm>>
        %dma_start3A_36 = tpu.memref_slice %arg3[%multiple_of3A] : memref<323584xi32, #tpu.memory_space<hbm>> -> memref<128xi32, #tpu.memory_space<hbm>>
        tpu.enqueue_dma source(%dma_start3A_36 : memref<128xi32, #tpu.memory_space<hbm>>) target(%arg6 : memref<128xi32, #tpu.memory_space<vmem>>) target_semaphore(%run_scoped3A : memref<!tpu.dma_semaphore, #tpu.memory_space<semaphore_mem>>)
        %dma_wait3A_37 = tpu.memref_slice %arg3[%multiple_of3A] : memref<323584xi32, #tpu.memory_space<hbm>> -> memref<128xi32, #tpu.memory_space<hbm>>
        %dma_wait3A_38 = tpu.memref_slice %arg3[%multiple_of3A] : memref<323584xi32, #tpu.memory_space<hbm>> -> memref<128xi32, #tpu.memory_space<hbm>>
        tpu.wait_dma2 semaphore(%run_scoped3A : memref<!tpu.dma_semaphore, #tpu.memory_space<semaphore_mem>>) src(%dma_wait3A_38 : memref<128xi32, #tpu.memory_space<hbm>>) dst(%arg6 : memref<128xi32, #tpu.memory_space<vmem>>)
        tpu.yield
      }) : () -> ()
      "tpu.region"() ({
        %run_scoped3A = tpu.sem_alloc : memref<!tpu.dma_semaphore, #tpu.memory_space<semaphore_mem>>
        %dma_start3A_35 = tpu.memref_slice %arg4[%multiple_of3A] : memref<323584xi32, #tpu.memory_space<hbm>> -> memref<128xi32, #tpu.memory_space<hbm>>
        %dma_start3A_36 = tpu.memref_slice %arg4[%multiple_of3A] : memref<323584xi32, #tpu.memory_space<hbm>> -> memref<128xi32, #tpu.memory_space<hbm>>
        tpu.enqueue_dma source(%dma_start3A_36 : memref<128xi32, #tpu.memory_space<hbm>>) target(%arg7 : memref<128xi32, #tpu.memory_space<vmem>>) target_semaphore(%run_scoped3A : memref<!tpu.dma_semaphore, #tpu.memory_space<semaphore_mem>>)
        %dma_wait3A_37 = tpu.memref_slice %arg4[%multiple_of3A] : memref<323584xi32, #tpu.memory_space<hbm>> -> memref<128xi32, #tpu.memory_space<hbm>>
        %dma_wait3A_38 = tpu.memref_slice %arg4[%multiple_of3A] : memref<323584xi32, #tpu.memory_space<hbm>> -> memref<128xi32, #tpu.memory_space<hbm>>
        tpu.wait_dma2 semaphore(%run_scoped3A : memref<!tpu.dma_semaphore, #tpu.memory_space<semaphore_mem>>) src(%dma_wait3A_38 : memref<128xi32, #tpu.memory_space<hbm>>) dst(%arg7 : memref<128xi32, #tpu.memory_space<vmem>>)
        tpu.yield
      }) : () -> ()
      %dma_start3A = arith.constant 0 : i32
      %dma_start3A_31 = arith.constant 0 : i32
      %dma_start3A_32 = tpu.memref_slice %arg2[%dma_start3A, %dma_start3A_31] : memref<10000x64xf32, #tpu.memory_space<hbm>> -> memref<10000x64xf32, #tpu.memory_space<hbm>>
      tpu.enqueue_indirect_dma source(%dma_start3A_32 : memref<10000x64xf32, #tpu.memory_space<hbm>>) target(%arg8 : memref<128x64xf32, #tpu.memory_space<vmem>>) offsets(%arg6 : memref<128xi32, #tpu.memory_space<vmem>>) semaphore(%arg11 : memref<!tpu.dma_semaphore, #tpu.memory_space<semaphore_mem>>)
      %dma_wait3A = arith.constant 0 : i32
      %dma_wait3A_33 = arith.constant 0 : i32
      %dma_wait3A_34 = tpu.memref_slice %arg2[%dma_wait3A, %dma_wait3A_33] : memref<10000x64xf32, #tpu.memory_space<hbm>> -> memref<10000x64xf32, #tpu.memory_space<hbm>>
      tpu.wait_indirect_dma semaphore(%arg11 : memref<!tpu.dma_semaphore, #tpu.memory_space<semaphore_mem>>) src(%dma_wait3A_34 : memref<10000x64xf32, #tpu.memory_space<hbm>>) dst(%arg8 : memref<128x64xf32, #tpu.memory_space<vmem>>)
      "tpu.region"() ({
        %run_scoped3A = tpu.sem_alloc : memref<!tpu.dma_semaphore, #tpu.memory_space<semaphore_mem>>
        %dma_start3A_35 = arith.constant 0 : i32
        %dma_start3A_36 = arith.constant 0 : i32
        %dma_start3A_37 = tpu.memref_slice %arg10[%dma_start3A_35, %dma_start3A_36] : memref<10240x64xf32, #tpu.memory_space<vmem_shared>> -> memref<10240x64xf32, #tpu.memory_space<vmem_shared>>
        tpu.enqueue_indirect_dma source(%arg8 : memref<128x64xf32, #tpu.memory_space<vmem>>) target(%dma_start3A_37 : memref<10240x64xf32, #tpu.memory_space<vmem_shared>>) offsets(%arg7 : memref<128xi32, #tpu.memory_space<vmem>>) semaphore(%run_scoped3A : memref<!tpu.dma_semaphore, #tpu.memory_space<semaphore_mem>>) {add = true}
        %dma_wait3A_38 = arith.constant 0 : i32
        %dma_wait3A_39 = arith.constant 0 : i32
        %dma_wait3A_40 = tpu.memref_slice %arg10[%dma_wait3A_38, %dma_wait3A_39] : memref<10240x64xf32, #tpu.memory_space<vmem_shared>> -> memref<10240x64xf32, #tpu.memory_space<vmem_shared>>
        tpu.wait_indirect_dma semaphore(%run_scoped3A : memref<!tpu.dma_semaphore, #tpu.memory_space<semaphore_mem>>) src(%arg8 : memref<128x64xf32, #tpu.memory_space<vmem>>) dst(%dma_wait3A_40 : memref<10240x64xf32, #tpu.memory_space<vmem_shared>>)
        tpu.yield
      }) : () -> ()
    }
    %scan3A_16 = arith.constant 79 : i32
    %barrier3A_17 = arith.constant 0 : index
    tpu.barrier barrier_id(%barrier3A_17)
    %scan3A_18 = arith.constant 0 : i32
    %scan3A_19 = arith.constant 5 : i32
    %scan3A_20 = arith.addi %scan3A_18, %scan3A_19 : i32
    %scan3A_21 = arith.constant 1 : i32
    scf.for %scan3A_23 = %scan3A_18 to %scan3A_20 step %scan3A_21  : i32 {
      %mul3A_24 = arith.constant 1 : i32
      %mul3A_25 = arith.muli %scan3A_23, %mul3A_24 : i32
      %add3A_26 = arith.constant 0 : i32
      %add3A_27 = arith.addi %add3A_26, %mul3A_25 : i32
      %mul3A_28 = arith.constant 640 : i32
      %mul3A_29 = arith.muli %arg1, %mul3A_28 : i32
      %mul3A_30 = arith.constant 128 : i32
      %mul3A_31 = arith.muli %add3A_27, %mul3A_30 : i32
      %add3A_32 = arith.addi %mul3A_29, %mul3A_31 : i32
      "tpu.region"() ({
        %run_scoped3A = tpu.sem_alloc : memref<!tpu.dma_semaphore, #tpu.memory_space<semaphore_mem>>
        %dma_start3A = arith.constant 0 : i32
        %dma_start3A_33 = tpu.memref_slice %arg5[%arg0, %add3A_32, %dma_start3A] : memref<2x10240x64xf32, #tpu.memory_space<hbm>> -> memref<1x128x64xf32, #tpu.memory_space<hbm>>
        %dma_start3A_34 = tpu.memref_squeeze %dma_start3A_33 : memref<1x128x64xf32, #tpu.memory_space<hbm>> -> memref<128x64xf32, #tpu.memory_space<hbm>>
        %dma_start3A_35 = arith.constant 0 : i32
        %dma_start3A_36 = tpu.memref_slice %arg10[%add3A_32, %dma_start3A_35] : memref<10240x64xf32, #tpu.memory_space<vmem_shared>> -> memref<128x64xf32, #tpu.memory_space<vmem_shared>>
        tpu.enqueue_dma source(%dma_start3A_36 : memref<128x64xf32, #tpu.memory_space<vmem_shared>>) target(%dma_start3A_34 : memref<128x64xf32, #tpu.memory_space<hbm>>) target_semaphore(%run_scoped3A : memref<!tpu.dma_semaphore, #tpu.memory_space<semaphore_mem>>)
        %dma_wait3A = arith.constant 0 : i32
        %dma_wait3A_37 = tpu.memref_slice %arg5[%arg0, %add3A_32, %dma_wait3A] : memref<2x10240x64xf32, #tpu.memory_space<hbm>> -> memref<1x128x64xf32, #tpu.memory_space<hbm>>
        %dma_wait3A_38 = tpu.memref_squeeze %dma_wait3A_37 : memref<1x128x64xf32, #tpu.memory_space<hbm>> -> memref<128x64xf32, #tpu.memory_space<hbm>>
        %dma_wait3A_39 = arith.constant 0 : i32
        %dma_wait3A_40 = tpu.memref_slice %arg10[%add3A_32, %dma_wait3A_39] : memref<10240x64xf32, #tpu.memory_space<vmem_shared>> -> memref<128x64xf32, #tpu.memory_space<vmem_shared>>
        tpu.wait_dma2 semaphore(%run_scoped3A : memref<!tpu.dma_semaphore, #tpu.memory_space<semaphore_mem>>) src(%dma_wait3A_40 : memref<128x64xf32, #tpu.memory_space<vmem_shared>>) dst(%dma_wait3A_38 : memref<128x64xf32, #tpu.memory_space<hbm>>)
        tpu.yield
      }) : () -> ()
    }
    %scan3A_22 = arith.constant 5 : i32
    return
  }
}

#map = affine_map<(d0, d1) -> (0, 0)>
#map1 = affine_map<(d0, d1) -> (0)>
#map2 = affine_map<(d0, d1) -> (0, 0, 0)>
module attributes {stable_mosaic.version = 14 : i64} {
  func.func @_edge_kernel(%arg0: i32, %arg1: i32, %arg2: memref<10000x64xf32, #tpu.memory_space<hbm>>, %arg3: memref<323584xi32, #tpu.memory_space<hbm>>, %arg4: memref<323584xi32, #tpu.memory_space<hbm>>, %arg5: memref<2x10240x64xf32, #tpu.memory_space<hbm>>, %arg6: memref<128xi32, #tpu.memory_space<vmem>>, %arg7: memref<128xi32, #tpu.memory_space<vmem>>, %arg8: memref<128x64xf32, #tpu.memory_space<vmem>>, %arg9: memref<128x64xf32, #tpu.memory_space<vmem>>, %arg10: memref<10240x64xf32, #tpu.memory_space<vmem_shared>>, %arg11: memref<!tpu.dma_semaphore, #tpu.memory_space<semaphore_mem>>) attributes {dimension_semantics = [#tpu.dimension_semantics<core_parallel>, #tpu.dimension_semantics<subcore_parallel>], iteration_bounds = array<i64: 2, 16>, scalar_prefetch = 0 : i64, scratch_operands = 6 : i64, tpu.core_type = #tpu.core_type<sc_vector_subcore>, window_params = [{transform_indices = #map}, {transform_indices = #map1}, {transform_indices = #map1}, {transform_indices = #map2}]} {
    %mul3A = arith.constant 16 : i32
    %mul3A_0 = arith.muli %arg0, %mul3A : i32
    %add3A = arith.addi %mul3A_0, %arg1 : i32
    %scan3A = arith.constant 0 : i32
    %scan3A_1 = arith.constant 128 : i32
    %scan3A_2 = arith.addi %scan3A, %scan3A_1 : i32
    %scan3A_3 = arith.constant 1 : i32
    scf.for %scan3A_23 = %scan3A to %scan3A_2 step %scan3A_3  : i32 {
      %mul3A_24 = arith.constant 1 : i32
      %mul3A_25 = arith.muli %scan3A_23, %mul3A_24 : i32
      %add3A_26 = arith.constant 0 : i32
      %add3A_27 = arith.addi %add3A_26, %mul3A_25 : i32
      %broadcast_in_dim3A = arith.constant 0.000000e+00 : f32
      %broadcast_in_dim3A_28 = vector.broadcast %broadcast_in_dim3A : f32 to vector<16xf32>
      %swap3A = arith.index_cast %add3A_27 : i32 to index
      %swap3A_29 = arith.constant 0 : index
      %swap3A_30 = tpu.vector_load %arg9[%swap3A, %swap3A_29] {strides = array<i32>} : memref<128x64xf32, #tpu.memory_space<vmem>>, vector<1x16xf32>,
      %swap3A_31 = vector.shape_cast %swap3A_30 : vector<1x16xf32> to vector<16xf32>
      %swap3A_32 = vector.shape_cast %broadcast_in_dim3A_28 : vector<16xf32> to vector<1x16xf32>
      tpu.vector_store %arg9[%swap3A, %swap3A_29], %swap3A_32 {strides = array<i32>} : memref<128x64xf32, #tpu.memory_space<vmem>>, vector<1x16xf32>,
      %broadcast_in_dim3A_33 = arith.constant 0.000000e+00 : f32
      %broadcast_in_dim3A_34 = vector.broadcast %broadcast_in_dim3A_33 : f32 to vector<16xf32>
      %swap3A_35 = arith.index_cast %add3A_27 : i32 to index
      %swap3A_36 = arith.constant 16 : index
      %swap3A_37 = tpu.vector_load %arg9[%swap3A_35, %swap3A_36] {strides = array<i32>} : memref<128x64xf32, #tpu.memory_space<vmem>>, vector<1x16xf32>,
      %swap3A_38 = vector.shape_cast %swap3A_37 : vector<1x16xf32> to vector<16xf32>
      %swap3A_39 = vector.shape_cast %broadcast_in_dim3A_34 : vector<16xf32> to vector<1x16xf32>
      tpu.vector_store %arg9[%swap3A_35, %swap3A_36], %swap3A_39 {strides = array<i32>} : memref<128x64xf32, #tpu.memory_space<vmem>>, vector<1x16xf32>,
      %broadcast_in_dim3A_40 = arith.constant 0.000000e+00 : f32
      %broadcast_in_dim3A_41 = vector.broadcast %broadcast_in_dim3A_40 : f32 to vector<16xf32>
      %swap3A_42 = arith.index_cast %add3A_27 : i32 to index
      %swap3A_43 = arith.constant 32 : index
      %swap3A_44 = tpu.vector_load %arg9[%swap3A_42, %swap3A_43] {strides = array<i32>} : memref<128x64xf32, #tpu.memory_space<vmem>>, vector<1x16xf32>,
      %swap3A_45 = vector.shape_cast %swap3A_44 : vector<1x16xf32> to vector<16xf32>
      %swap3A_46 = vector.shape_cast %broadcast_in_dim3A_41 : vector<16xf32> to vector<1x16xf32>
      tpu.vector_store %arg9[%swap3A_42, %swap3A_43], %swap3A_46 {strides = array<i32>} : memref<128x64xf32, #tpu.memory_space<vmem>>, vector<1x16xf32>,
      %broadcast_in_dim3A_47 = arith.constant 0.000000e+00 : f32
      %broadcast_in_dim3A_48 = vector.broadcast %broadcast_in_dim3A_47 : f32 to vector<16xf32>
      %swap3A_49 = arith.index_cast %add3A_27 : i32 to index
      %swap3A_50 = arith.constant 48 : index
      %swap3A_51 = tpu.vector_load %arg9[%swap3A_49, %swap3A_50] {strides = array<i32>} : memref<128x64xf32, #tpu.memory_space<vmem>>, vector<1x16xf32>,
      %swap3A_52 = vector.shape_cast %swap3A_51 : vector<1x16xf32> to vector<16xf32>
      %swap3A_53 = vector.shape_cast %broadcast_in_dim3A_48 : vector<16xf32> to vector<1x16xf32>
      tpu.vector_store %arg9[%swap3A_49, %swap3A_50], %swap3A_53 {strides = array<i32>} : memref<128x64xf32, #tpu.memory_space<vmem>>, vector<1x16xf32>,
    }
    %scan3A_4 = arith.constant 128 : i32
    %scan3A_5 = arith.constant 0 : i32
    %scan3A_6 = arith.constant 5 : i32
    %scan3A_7 = arith.addi %scan3A_5, %scan3A_6 : i32
    %scan3A_8 = arith.constant 1 : i32
    scf.for %scan3A_23 = %scan3A_5 to %scan3A_7 step %scan3A_8  : i32 {
      %mul3A_24 = arith.constant 1 : i32
      %mul3A_25 = arith.muli %scan3A_23, %mul3A_24 : i32
      %add3A_26 = arith.constant 0 : i32
      %add3A_27 = arith.addi %add3A_26, %mul3A_25 : i32
      %mul3A_28 = arith.constant 640 : i32
      %mul3A_29 = arith.muli %arg1, %mul3A_28 : i32
      %mul3A_30 = arith.constant 128 : i32
      %mul3A_31 = arith.muli %add3A_27, %mul3A_30 : i32
      %add3A_32 = arith.addi %mul3A_29, %mul3A_31 : i32
      "tpu.region"() ({
        %run_scoped3A = tpu.sem_alloc : memref<!tpu.dma_semaphore, #tpu.memory_space<semaphore_mem>>
        %dma_start3A = arith.constant 0 : i32
        %dma_start3A_33 = tpu.memref_slice %arg10[%add3A_32, %dma_start3A] : memref<10240x64xf32, #tpu.memory_space<vmem_shared>> -> memref<128x64xf32, #tpu.memory_space<vmem_shared>>
        %dma_start3A_34 = arith.constant 0 : i32
        %dma_start3A_35 = tpu.memref_slice %arg10[%add3A_32, %dma_start3A_34] : memref<10240x64xf32, #tpu.memory_space<vmem_shared>> -> memref<128x64xf32, #tpu.memory_space<vmem_shared>>
        tpu.enqueue_dma source(%arg9 : memref<128x64xf32, #tpu.memory_space<vmem>>) target(%dma_start3A_35 : memref<128x64xf32, #tpu.memory_space<vmem_shared>>) target_semaphore(%run_scoped3A : memref<!tpu.dma_semaphore, #tpu.memory_space<semaphore_mem>>)
        %dma_wait3A = arith.constant 0 : i32
        %dma_wait3A_36 = tpu.memref_slice %arg10[%add3A_32, %dma_wait3A] : memref<10240x64xf32, #tpu.memory_space<vmem_shared>> -> memref<128x64xf32, #tpu.memory_space<vmem_shared>>
        %dma_wait3A_37 = arith.constant 0 : i32
        %dma_wait3A_38 = tpu.memref_slice %arg10[%add3A_32, %dma_wait3A_37] : memref<10240x64xf32, #tpu.memory_space<vmem_shared>> -> memref<128x64xf32, #tpu.memory_space<vmem_shared>>
        tpu.wait_dma2 semaphore(%run_scoped3A : memref<!tpu.dma_semaphore, #tpu.memory_space<semaphore_mem>>) src(%arg9 : memref<128x64xf32, #tpu.memory_space<vmem>>) dst(%dma_wait3A_38 : memref<128x64xf32, #tpu.memory_space<vmem_shared>>)
        tpu.yield
      }) : () -> ()
    }
    %scan3A_9 = arith.constant 5 : i32
    %barrier3A = arith.constant 0 : index
    tpu.barrier barrier_id(%barrier3A)
    %mul3A_10 = arith.constant 10112 : i32
    %mul3A_11 = arith.muli %add3A, %mul3A_10 : i32
    %scan3A_12 = arith.constant 0 : i32
    %scan3A_13 = arith.constant 79 : i32
    %scan3A_14 = arith.addi %scan3A_12, %scan3A_13 : i32
    %scan3A_15 = arith.constant 1 : i32
    scf.for %scan3A_23 = %scan3A_12 to %scan3A_14 step %scan3A_15  : i32 {
      %mul3A_24 = arith.constant 1 : i32
      %mul3A_25 = arith.muli %scan3A_23, %mul3A_24 : i32
      %add3A_26 = arith.constant 0 : i32
      %add3A_27 = arith.addi %add3A_26, %mul3A_25 : i32
      %mul3A_28 = arith.constant 128 : i32
      %mul3A_29 = arith.muli %add3A_27, %mul3A_28 : i32
      %add3A_30 = arith.addi %mul3A_11, %mul3A_29 : i32
      %multiple_of3A = tpu.assume_multiple %add3A_30, 8 : i32
      "tpu.region"() ({
        %run_scoped3A = tpu.sem_alloc : memref<!tpu.dma_semaphore, #tpu.memory_space<semaphore_mem>>
        %dma_start3A_35 = tpu.memref_slice %arg3[%multiple_of3A] : memref<323584xi32, #tpu.memory_space<hbm>> -> memref<128xi32, #tpu.memory_space<hbm>>
        %dma_start3A_36 = tpu.memref_slice %arg3[%multiple_of3A] : memref<323584xi32, #tpu.memory_space<hbm>> -> memref<128xi32, #tpu.memory_space<hbm>>
        tpu.enqueue_dma source(%dma_start3A_36 : memref<128xi32, #tpu.memory_space<hbm>>) target(%arg6 : memref<128xi32, #tpu.memory_space<vmem>>) target_semaphore(%run_scoped3A : memref<!tpu.dma_semaphore, #tpu.memory_space<semaphore_mem>>)
        %dma_wait3A_37 = tpu.memref_slice %arg3[%multiple_of3A] : memref<323584xi32, #tpu.memory_space<hbm>> -> memref<128xi32, #tpu.memory_space<hbm>>
        %dma_wait3A_38 = tpu.memref_slice %arg3[%multiple_of3A] : memref<323584xi32, #tpu.memory_space<hbm>> -> memref<128xi32, #tpu.memory_space<hbm>>
        tpu.wait_dma2 semaphore(%run_scoped3A : memref<!tpu.dma_semaphore, #tpu.memory_space<semaphore_mem>>) src(%dma_wait3A_38 : memref<128xi32, #tpu.memory_space<hbm>>) dst(%arg6 : memref<128xi32, #tpu.memory_space<vmem>>)
        tpu.yield
      }) : () -> ()
      "tpu.region"() ({
        %run_scoped3A = tpu.sem_alloc : memref<!tpu.dma_semaphore, #tpu.memory_space<semaphore_mem>>
        %dma_start3A_35 = tpu.memref_slice %arg4[%multiple_of3A] : memref<323584xi32, #tpu.memory_space<hbm>> -> memref<128xi32, #tpu.memory_space<hbm>>
        %dma_start3A_36 = tpu.memref_slice %arg4[%multiple_of3A] : memref<323584xi32, #tpu.memory_space<hbm>> -> memref<128xi32, #tpu.memory_space<hbm>>
        tpu.enqueue_dma source(%dma_start3A_36 : memref<128xi32, #tpu.memory_space<hbm>>) target(%arg7 : memref<128xi32, #tpu.memory_space<vmem>>) target_semaphore(%run_scoped3A : memref<!tpu.dma_semaphore, #tpu.memory_space<semaphore_mem>>)
        %dma_wait3A_37 = tpu.memref_slice %arg4[%multiple_of3A] : memref<323584xi32, #tpu.memory_space<hbm>> -> memref<128xi32, #tpu.memory_space<hbm>>
        %dma_wait3A_38 = tpu.memref_slice %arg4[%multiple_of3A] : memref<323584xi32, #tpu.memory_space<hbm>> -> memref<128xi32, #tpu.memory_space<hbm>>
        tpu.wait_dma2 semaphore(%run_scoped3A : memref<!tpu.dma_semaphore, #tpu.memory_space<semaphore_mem>>) src(%dma_wait3A_38 : memref<128xi32, #tpu.memory_space<hbm>>) dst(%arg7 : memref<128xi32, #tpu.memory_space<vmem>>)
        tpu.yield
      }) : () -> ()
      %dma_start3A = arith.constant 0 : i32
      %dma_start3A_31 = arith.constant 0 : i32
      %dma_start3A_32 = tpu.memref_slice %arg2[%dma_start3A, %dma_start3A_31] : memref<10000x64xf32, #tpu.memory_space<hbm>> -> memref<10000x64xf32, #tpu.memory_space<hbm>>
      tpu.enqueue_indirect_dma source(%dma_start3A_32 : memref<10000x64xf32, #tpu.memory_space<hbm>>) target(%arg8 : memref<128x64xf32, #tpu.memory_space<vmem>>) offsets(%arg6 : memref<128xi32, #tpu.memory_space<vmem>>) semaphore(%arg11 : memref<!tpu.dma_semaphore, #tpu.memory_space<semaphore_mem>>)
      %dma_wait3A = arith.constant 0 : i32
      %dma_wait3A_33 = arith.constant 0 : i32
      %dma_wait3A_34 = tpu.memref_slice %arg2[%dma_wait3A, %dma_wait3A_33] : memref<10000x64xf32, #tpu.memory_space<hbm>> -> memref<10000x64xf32, #tpu.memory_space<hbm>>
      tpu.wait_indirect_dma semaphore(%arg11 : memref<!tpu.dma_semaphore, #tpu.memory_space<semaphore_mem>>) src(%dma_wait3A_34 : memref<10000x64xf32, #tpu.memory_space<hbm>>) dst(%arg8 : memref<128x64xf32, #tpu.memory_space<vmem>>)
      "tpu.region"() ({
        %run_scoped3A = tpu.sem_alloc : memref<!tpu.dma_semaphore, #tpu.memory_space<semaphore_mem>>
        %dma_start3A_35 = arith.constant 0 : i32
        %dma_start3A_36 = arith.constant 0 : i32
        %dma_start3A_37 = tpu.memref_slice %arg10[%dma_start3A_35, %dma_start3A_36] : memref<10240x64xf32, #tpu.memory_space<vmem_shared>> -> memref<10240x64xf32, #tpu.memory_space<vmem_shared>>
        tpu.enqueue_indirect_dma source(%arg8 : memref<128x64xf32, #tpu.memory_space<vmem>>) target(%dma_start3A_37 : memref<10240x64xf32, #tpu.memory_space<vmem_shared>>) offsets(%arg7 : memref<128xi32, #tpu.memory_space<vmem>>) semaphore(%run_scoped3A : memref<!tpu.dma_semaphore, #tpu.memory_space<semaphore_mem>>) {add = true}
        %dma_wait3A_38 = arith.constant 0 : i32
        %dma_wait3A_39 = arith.constant 0 : i32
        %dma_wait3A_40 = tpu.memref_slice %arg10[%dma_wait3A_38, %dma_wait3A_39] : memref<10240x64xf32, #tpu.memory_space<vmem_shared>> -> memref<10240x64xf32, #tpu.memory_space<vmem_shared>>
        tpu.wait_indirect_dma semaphore(%run_scoped3A : memref<!tpu.dma_semaphore, #tpu.memory_space<semaphore_mem>>) src(%arg8 : memref<128x64xf32, #tpu.memory_space<vmem>>) dst(%dma_wait3A_40 : memref<10240x64xf32, #tpu.memory_space<vmem_shared>>)
        tpu.yield
      }) : () -> ()
    }
    %scan3A_16 = arith.constant 79 : i32
    %barrier3A_17 = arith.constant 0 : index
    tpu.barrier barrier_id(%barrier3A_17)
    %scan3A_18 = arith.constant 0 : i32
    %scan3A_19 = arith.constant 5 : i32
    %scan3A_20 = arith.addi %scan3A_18, %scan3A_19 : i32
    %scan3A_21 = arith.constant 1 : i32
    scf.for %scan3A_23 = %scan3A_18 to %scan3A_20 step %scan3A_21  : i32 {
      %mul3A_24 = arith.constant 1 : i32
      %mul3A_25 = arith.muli %scan3A_23, %mul3A_24 : i32
      %add3A_26 = arith.constant 0 : i32
      %add3A_27 = arith.addi %add3A_26, %mul3A_25 : i32
      %mul3A_28 = arith.constant 640 : i32
      %mul3A_29 = arith.muli %arg1, %mul3A_28 : i32
      %mul3A_30 = arith.constant 128 : i32
      %mul3A_31 = arith.muli %add3A_27, %mul3A_30 : i32
      %add3A_32 = arith.addi %mul3A_29, %mul3A_31 : i32
      "tpu.region"() ({
        %run_scoped3A = tpu.sem_alloc : memref<!tpu.dma_semaphore, #tpu.memory_space<semaphore_mem>>
        %dma_start3A = arith.constant 0 : i32
        %dma_start3A_33 = tpu.memref_slice %arg5[%arg0, %add3A_32, %dma_start3A] : memref<2x10240x64xf32, #tpu.memory_space<hbm>> -> memref<1x128x64xf32, #tpu.memory_space<hbm>>
        %dma_start3A_34 = tpu.memref_squeeze %dma_start3A_33 : memref<1x128x64xf32, #tpu.memory_space<hbm>> -> memref<128x64xf32, #tpu.memory_space<hbm>>
        %dma_start3A_35 = arith.constant 0 : i32
        %dma_start3A_36 = tpu.memref_slice %arg10[%add3A_32, %dma_start3A_35] : memref<10240x64xf32, #tpu.memory_space<vmem_shared>> -> memref<128x64xf32, #tpu.memory_space<vmem_shared>>
        tpu.enqueue_dma source(%dma_start3A_36 : memref<128x64xf32, #tpu.memory_space<vmem_shared>>) target(%dma_start3A_34 : memref<128x64xf32, #tpu.memory_space<hbm>>) target_semaphore(%run_scoped3A : memref<!tpu.dma_semaphore, #tpu.memory_space<semaphore_mem>>)
        %dma_wait3A = arith.constant 0 : i32
        %dma_wait3A_37 = tpu.memref_slice %arg5[%arg0, %add3A_32, %dma_wait3A] : memref<2x10240x64xf32, #tpu.memory_space<hbm>> -> memref<1x128x64xf32, #tpu.memory_space<hbm>>
        %dma_wait3A_38 = tpu.memref_squeeze %dma_wait3A_37 : memref<1x128x64xf32, #tpu.memory_space<hbm>> -> memref<128x64xf32, #tpu.memory_space<hbm>>
        %dma_wait3A_39 = arith.constant 0 : i32
        %dma_wait3A_40 = tpu.memref_slice %arg10[%add3A_32, %dma_wait3A_39] : memref<10240x64xf32, #tpu.memory_space<vmem_shared>> -> memref<128x64xf32, #tpu.memory_space<vmem_shared>>
        tpu.wait_dma2 semaphore(%run_scoped3A : memref<!tpu.dma_semaphore, #tpu.memory_space<semaphore_mem>>) src(%dma_wait3A_40 : memref<128x64xf32, #tpu.memory_space<vmem_shared>>) dst(%dma_wait3A_38 : memref<128x64xf32, #tpu.memory_space<hbm>>)
        tpu.yield
      }) : () -> ()
    }
    %scan3A_22 = arith.constant 5 : i32
    return
  }
}

#map = affine_map<(d0, d1) -> (0, 0)>
#map1 = affine_map<(d0, d1) -> (0)>
#map2 = affine_map<(d0, d1) -> (0, 0, 0)>
module attributes {stable_mosaic.version = 14 : i64} {
  func.func @_edge_kernel(%arg0: i32, %arg1: i32, %arg2: memref<10000x64xf32, #tpu.memory_space<hbm>>, %arg3: memref<323584xi32, #tpu.memory_space<hbm>>, %arg4: memref<323584xi32, #tpu.memory_space<hbm>>, %arg5: memref<2x10240x64xf32, #tpu.memory_space<hbm>>, %arg6: memref<128xi32, #tpu.memory_space<vmem>>, %arg7: memref<128xi32, #tpu.memory_space<vmem>>, %arg8: memref<128x64xf32, #tpu.memory_space<vmem>>, %arg9: memref<128x64xf32, #tpu.memory_space<vmem>>, %arg10: memref<10240x64xf32, #tpu.memory_space<vmem_shared>>, %arg11: memref<!tpu.dma_semaphore, #tpu.memory_space<semaphore_mem>>) attributes {dimension_semantics = [#tpu.dimension_semantics<core_parallel>, #tpu.dimension_semantics<subcore_parallel>], iteration_bounds = array<i64: 2, 16>, scalar_prefetch = 0 : i64, scratch_operands = 6 : i64, tpu.core_type = #tpu.core_type<sc_vector_subcore>, window_params = [{transform_indices = #map}, {transform_indices = #map1}, {transform_indices = #map1}, {transform_indices = #map2}]} {
    %mul3A = arith.constant 16 : i32
    %mul3A_0 = arith.muli %arg0, %mul3A : i32
    %add3A = arith.addi %mul3A_0, %arg1 : i32
    %scan3A = arith.constant 0 : i32
    %scan3A_1 = arith.constant 128 : i32
    %scan3A_2 = arith.addi %scan3A, %scan3A_1 : i32
    %scan3A_3 = arith.constant 1 : i32
    scf.for %scan3A_23 = %scan3A to %scan3A_2 step %scan3A_3  : i32 {
      %mul3A_24 = arith.constant 1 : i32
      %mul3A_25 = arith.muli %scan3A_23, %mul3A_24 : i32
      %add3A_26 = arith.constant 0 : i32
      %add3A_27 = arith.addi %add3A_26, %mul3A_25 : i32
      %broadcast_in_dim3A = arith.constant 0.000000e+00 : f32
      %broadcast_in_dim3A_28 = vector.broadcast %broadcast_in_dim3A : f32 to vector<16xf32>
      %swap3A = arith.index_cast %add3A_27 : i32 to index
      %swap3A_29 = arith.constant 0 : index
      %swap3A_30 = tpu.vector_load %arg9[%swap3A, %swap3A_29] {strides = array<i32>} : memref<128x64xf32, #tpu.memory_space<vmem>>, vector<1x16xf32>,
      %swap3A_31 = vector.shape_cast %swap3A_30 : vector<1x16xf32> to vector<16xf32>
      %swap3A_32 = vector.shape_cast %broadcast_in_dim3A_28 : vector<16xf32> to vector<1x16xf32>
      tpu.vector_store %arg9[%swap3A, %swap3A_29], %swap3A_32 {strides = array<i32>} : memref<128x64xf32, #tpu.memory_space<vmem>>, vector<1x16xf32>,
      %broadcast_in_dim3A_33 = arith.constant 0.000000e+00 : f32
      %broadcast_in_dim3A_34 = vector.broadcast %broadcast_in_dim3A_33 : f32 to vector<16xf32>
      %swap3A_35 = arith.index_cast %add3A_27 : i32 to index
      %swap3A_36 = arith.constant 16 : index
      %swap3A_37 = tpu.vector_load %arg9[%swap3A_35, %swap3A_36] {strides = array<i32>} : memref<128x64xf32, #tpu.memory_space<vmem>>, vector<1x16xf32>,
      %swap3A_38 = vector.shape_cast %swap3A_37 : vector<1x16xf32> to vector<16xf32>
      %swap3A_39 = vector.shape_cast %broadcast_in_dim3A_34 : vector<16xf32> to vector<1x16xf32>
      tpu.vector_store %arg9[%swap3A_35, %swap3A_36], %swap3A_39 {strides = array<i32>} : memref<128x64xf32, #tpu.memory_space<vmem>>, vector<1x16xf32>,
      %broadcast_in_dim3A_40 = arith.constant 0.000000e+00 : f32
      %broadcast_in_dim3A_41 = vector.broadcast %broadcast_in_dim3A_40 : f32 to vector<16xf32>
      %swap3A_42 = arith.index_cast %add3A_27 : i32 to index
      %swap3A_43 = arith.constant 32 : index
      %swap3A_44 = tpu.vector_load %arg9[%swap3A_42, %swap3A_43] {strides = array<i32>} : memref<128x64xf32, #tpu.memory_space<vmem>>, vector<1x16xf32>,
      %swap3A_45 = vector.shape_cast %swap3A_44 : vector<1x16xf32> to vector<16xf32>
      %swap3A_46 = vector.shape_cast %broadcast_in_dim3A_41 : vector<16xf32> to vector<1x16xf32>
      tpu.vector_store %arg9[%swap3A_42, %swap3A_43], %swap3A_46 {strides = array<i32>} : memref<128x64xf32, #tpu.memory_space<vmem>>, vector<1x16xf32>,
      %broadcast_in_dim3A_47 = arith.constant 0.000000e+00 : f32
      %broadcast_in_dim3A_48 = vector.broadcast %broadcast_in_dim3A_47 : f32 to vector<16xf32>
      %swap3A_49 = arith.index_cast %add3A_27 : i32 to index
      %swap3A_50 = arith.constant 48 : index
      %swap3A_51 = tpu.vector_load %arg9[%swap3A_49, %swap3A_50] {strides = array<i32>} : memref<128x64xf32, #tpu.memory_space<vmem>>, vector<1x16xf32>,
      %swap3A_52 = vector.shape_cast %swap3A_51 : vector<1x16xf32> to vector<16xf32>
      %swap3A_53 = vector.shape_cast %broadcast_in_dim3A_48 : vector<16xf32> to vector<1x16xf32>
      tpu.vector_store %arg9[%swap3A_49, %swap3A_50], %swap3A_53 {strides = array<i32>} : memref<128x64xf32, #tpu.memory_space<vmem>>, vector<1x16xf32>,
    }
    %scan3A_4 = arith.constant 128 : i32
    %scan3A_5 = arith.constant 0 : i32
    %scan3A_6 = arith.constant 5 : i32
    %scan3A_7 = arith.addi %scan3A_5, %scan3A_6 : i32
    %scan3A_8 = arith.constant 1 : i32
    scf.for %scan3A_23 = %scan3A_5 to %scan3A_7 step %scan3A_8  : i32 {
      %mul3A_24 = arith.constant 1 : i32
      %mul3A_25 = arith.muli %scan3A_23, %mul3A_24 : i32
      %add3A_26 = arith.constant 0 : i32
      %add3A_27 = arith.addi %add3A_26, %mul3A_25 : i32
      %mul3A_28 = arith.constant 640 : i32
      %mul3A_29 = arith.muli %arg1, %mul3A_28 : i32
      %mul3A_30 = arith.constant 128 : i32
      %mul3A_31 = arith.muli %add3A_27, %mul3A_30 : i32
      %add3A_32 = arith.addi %mul3A_29, %mul3A_31 : i32
      "tpu.region"() ({
        %run_scoped3A = tpu.sem_alloc : memref<!tpu.dma_semaphore, #tpu.memory_space<semaphore_mem>>
        %dma_start3A = arith.constant 0 : i32
        %dma_start3A_33 = tpu.memref_slice %arg10[%add3A_32, %dma_start3A] : memref<10240x64xf32, #tpu.memory_space<vmem_shared>> -> memref<128x64xf32, #tpu.memory_space<vmem_shared>>
        %dma_start3A_34 = arith.constant 0 : i32
        %dma_start3A_35 = tpu.memref_slice %arg10[%add3A_32, %dma_start3A_34] : memref<10240x64xf32, #tpu.memory_space<vmem_shared>> -> memref<128x64xf32, #tpu.memory_space<vmem_shared>>
        tpu.enqueue_dma source(%arg9 : memref<128x64xf32, #tpu.memory_space<vmem>>) target(%dma_start3A_35 : memref<128x64xf32, #tpu.memory_space<vmem_shared>>) target_semaphore(%run_scoped3A : memref<!tpu.dma_semaphore, #tpu.memory_space<semaphore_mem>>)
        %dma_wait3A = arith.constant 0 : i32
        %dma_wait3A_36 = tpu.memref_slice %arg10[%add3A_32, %dma_wait3A] : memref<10240x64xf32, #tpu.memory_space<vmem_shared>> -> memref<128x64xf32, #tpu.memory_space<vmem_shared>>
        %dma_wait3A_37 = arith.constant 0 : i32
        %dma_wait3A_38 = tpu.memref_slice %arg10[%add3A_32, %dma_wait3A_37] : memref<10240x64xf32, #tpu.memory_space<vmem_shared>> -> memref<128x64xf32, #tpu.memory_space<vmem_shared>>
        tpu.wait_dma2 semaphore(%run_scoped3A : memref<!tpu.dma_semaphore, #tpu.memory_space<semaphore_mem>>) src(%arg9 : memref<128x64xf32, #tpu.memory_space<vmem>>) dst(%dma_wait3A_38 : memref<128x64xf32, #tpu.memory_space<vmem_shared>>)
        tpu.yield
      }) : () -> ()
    }
    %scan3A_9 = arith.constant 5 : i32
    %barrier3A = arith.constant 0 : index
    tpu.barrier barrier_id(%barrier3A)
    %mul3A_10 = arith.constant 10112 : i32
    %mul3A_11 = arith.muli %add3A, %mul3A_10 : i32
    %scan3A_12 = arith.constant 0 : i32
    %scan3A_13 = arith.constant 79 : i32
    %scan3A_14 = arith.addi %scan3A_12, %scan3A_13 : i32
    %scan3A_15 = arith.constant 1 : i32
    scf.for %scan3A_23 = %scan3A_12 to %scan3A_14 step %scan3A_15  : i32 {
      %mul3A_24 = arith.constant 1 : i32
      %mul3A_25 = arith.muli %scan3A_23, %mul3A_24 : i32
      %add3A_26 = arith.constant 0 : i32
      %add3A_27 = arith.addi %add3A_26, %mul3A_25 : i32
      %mul3A_28 = arith.constant 128 : i32
      %mul3A_29 = arith.muli %add3A_27, %mul3A_28 : i32
      %add3A_30 = arith.addi %mul3A_11, %mul3A_29 : i32
      %multiple_of3A = tpu.assume_multiple %add3A_30, 8 : i32
      "tpu.region"() ({
        %run_scoped3A = tpu.sem_alloc : memref<!tpu.dma_semaphore, #tpu.memory_space<semaphore_mem>>
        %dma_start3A_35 = tpu.memref_slice %arg3[%multiple_of3A] : memref<323584xi32, #tpu.memory_space<hbm>> -> memref<128xi32, #tpu.memory_space<hbm>>
        %dma_start3A_36 = tpu.memref_slice %arg3[%multiple_of3A] : memref<323584xi32, #tpu.memory_space<hbm>> -> memref<128xi32, #tpu.memory_space<hbm>>
        tpu.enqueue_dma source(%dma_start3A_36 : memref<128xi32, #tpu.memory_space<hbm>>) target(%arg6 : memref<128xi32, #tpu.memory_space<vmem>>) target_semaphore(%run_scoped3A : memref<!tpu.dma_semaphore, #tpu.memory_space<semaphore_mem>>)
        %dma_wait3A_37 = tpu.memref_slice %arg3[%multiple_of3A] : memref<323584xi32, #tpu.memory_space<hbm>> -> memref<128xi32, #tpu.memory_space<hbm>>
        %dma_wait3A_38 = tpu.memref_slice %arg3[%multiple_of3A] : memref<323584xi32, #tpu.memory_space<hbm>> -> memref<128xi32, #tpu.memory_space<hbm>>
        tpu.wait_dma2 semaphore(%run_scoped3A : memref<!tpu.dma_semaphore, #tpu.memory_space<semaphore_mem>>) src(%dma_wait3A_38 : memref<128xi32, #tpu.memory_space<hbm>>) dst(%arg6 : memref<128xi32, #tpu.memory_space<vmem>>)
        tpu.yield
      }) : () -> ()
      "tpu.region"() ({
        %run_scoped3A = tpu.sem_alloc : memref<!tpu.dma_semaphore, #tpu.memory_space<semaphore_mem>>
        %dma_start3A_35 = tpu.memref_slice %arg4[%multiple_of3A] : memref<323584xi32, #tpu.memory_space<hbm>> -> memref<128xi32, #tpu.memory_space<hbm>>
        %dma_start3A_36 = tpu.memref_slice %arg4[%multiple_of3A] : memref<323584xi32, #tpu.memory_space<hbm>> -> memref<128xi32, #tpu.memory_space<hbm>>
        tpu.enqueue_dma source(%dma_start3A_36 : memref<128xi32, #tpu.memory_space<hbm>>) target(%arg7 : memref<128xi32, #tpu.memory_space<vmem>>) target_semaphore(%run_scoped3A : memref<!tpu.dma_semaphore, #tpu.memory_space<semaphore_mem>>)
        %dma_wait3A_37 = tpu.memref_slice %arg4[%multiple_of3A] : memref<323584xi32, #tpu.memory_space<hbm>> -> memref<128xi32, #tpu.memory_space<hbm>>
        %dma_wait3A_38 = tpu.memref_slice %arg4[%multiple_of3A] : memref<323584xi32, #tpu.memory_space<hbm>> -> memref<128xi32, #tpu.memory_space<hbm>>
        tpu.wait_dma2 semaphore(%run_scoped3A : memref<!tpu.dma_semaphore, #tpu.memory_space<semaphore_mem>>) src(%dma_wait3A_38 : memref<128xi32, #tpu.memory_space<hbm>>) dst(%arg7 : memref<128xi32, #tpu.memory_space<vmem>>)
        tpu.yield
      }) : () -> ()
      %dma_start3A = arith.constant 0 : i32
      %dma_start3A_31 = arith.constant 0 : i32
      %dma_start3A_32 = tpu.memref_slice %arg2[%dma_start3A, %dma_start3A_31] : memref<10000x64xf32, #tpu.memory_space<hbm>> -> memref<10000x64xf32, #tpu.memory_space<hbm>>
      tpu.enqueue_indirect_dma source(%dma_start3A_32 : memref<10000x64xf32, #tpu.memory_space<hbm>>) target(%arg8 : memref<128x64xf32, #tpu.memory_space<vmem>>) offsets(%arg6 : memref<128xi32, #tpu.memory_space<vmem>>) semaphore(%arg11 : memref<!tpu.dma_semaphore, #tpu.memory_space<semaphore_mem>>)
      %dma_wait3A = arith.constant 0 : i32
      %dma_wait3A_33 = arith.constant 0 : i32
      %dma_wait3A_34 = tpu.memref_slice %arg2[%dma_wait3A, %dma_wait3A_33] : memref<10000x64xf32, #tpu.memory_space<hbm>> -> memref<10000x64xf32, #tpu.memory_space<hbm>>
      tpu.wait_indirect_dma semaphore(%arg11 : memref<!tpu.dma_semaphore, #tpu.memory_space<semaphore_mem>>) src(%dma_wait3A_34 : memref<10000x64xf32, #tpu.memory_space<hbm>>) dst(%arg8 : memref<128x64xf32, #tpu.memory_space<vmem>>)
      "tpu.region"() ({
        %run_scoped3A = tpu.sem_alloc : memref<!tpu.dma_semaphore, #tpu.memory_space<semaphore_mem>>
        %dma_start3A_35 = arith.constant 0 : i32
        %dma_start3A_36 = arith.constant 0 : i32
        %dma_start3A_37 = tpu.memref_slice %arg10[%dma_start3A_35, %dma_start3A_36] : memref<10240x64xf32, #tpu.memory_space<vmem_shared>> -> memref<10240x64xf32, #tpu.memory_space<vmem_shared>>
        tpu.enqueue_indirect_dma source(%arg8 : memref<128x64xf32, #tpu.memory_space<vmem>>) target(%dma_start3A_37 : memref<10240x64xf32, #tpu.memory_space<vmem_shared>>) offsets(%arg7 : memref<128xi32, #tpu.memory_space<vmem>>) semaphore(%run_scoped3A : memref<!tpu.dma_semaphore, #tpu.memory_space<semaphore_mem>>) {add = true}
        %dma_wait3A_38 = arith.constant 0 : i32
        %dma_wait3A_39 = arith.constant 0 : i32
        %dma_wait3A_40 = tpu.memref_slice %arg10[%dma_wait3A_38, %dma_wait3A_39] : memref<10240x64xf32, #tpu.memory_space<vmem_shared>> -> memref<10240x64xf32, #tpu.memory_space<vmem_shared>>
        tpu.wait_indirect_dma semaphore(%run_scoped3A : memref<!tpu.dma_semaphore, #tpu.memory_space<semaphore_mem>>) src(%arg8 : memref<128x64xf32, #tpu.memory_space<vmem>>) dst(%dma_wait3A_40 : memref<10240x64xf32, #tpu.memory_space<vmem_shared>>)
        tpu.yield
      }) : () -> ()
    }
    %scan3A_16 = arith.constant 79 : i32
    %barrier3A_17 = arith.constant 0 : index
    tpu.barrier barrier_id(%barrier3A_17)
    %scan3A_18 = arith.constant 0 : i32
    %scan3A_19 = arith.constant 5 : i32
    %scan3A_20 = arith.addi %scan3A_18, %scan3A_19 : i32
    %scan3A_21 = arith.constant 1 : i32
    scf.for %scan3A_23 = %scan3A_18 to %scan3A_20 step %scan3A_21  : i32 {
      %mul3A_24 = arith.constant 1 : i32
      %mul3A_25 = arith.muli %scan3A_23, %mul3A_24 : i32
      %add3A_26 = arith.constant 0 : i32
      %add3A_27 = arith.addi %add3A_26, %mul3A_25 : i32
      %mul3A_28 = arith.constant 640 : i32
      %mul3A_29 = arith.muli %arg1, %mul3A_28 : i32
      %mul3A_30 = arith.constant 128 : i32
      %mul3A_31 = arith.muli %add3A_27, %mul3A_30 : i32
      %add3A_32 = arith.addi %mul3A_29, %mul3A_31 : i32
      "tpu.region"() ({
        %run_scoped3A = tpu.sem_alloc : memref<!tpu.dma_semaphore, #tpu.memory_space<semaphore_mem>>
        %dma_start3A = arith.constant 0 : i32
        %dma_start3A_33 = tpu.memref_slice %arg5[%arg0, %add3A_32, %dma_start3A] : memref<2x10240x64xf32, #tpu.memory_space<hbm>> -> memref<1x128x64xf32, #tpu.memory_space<hbm>>
        %dma_start3A_34 = tpu.memref_squeeze %dma_start3A_33 : memref<1x128x64xf32, #tpu.memory_space<hbm>> -> memref<128x64xf32, #tpu.memory_space<hbm>>
        %dma_start3A_35 = arith.constant 0 : i32
        %dma_start3A_36 = tpu.memref_slice %arg10[%add3A_32, %dma_start3A_35] : memref<10240x64xf32, #tpu.memory_space<vmem_shared>> -> memref<128x64xf32, #tpu.memory_space<vmem_shared>>
        tpu.enqueue_dma source(%dma_start3A_36 : memref<128x64xf32, #tpu.memory_space<vmem_shared>>) target(%dma_start3A_34 : memref<128x64xf32, #tpu.memory_space<hbm>>) target_semaphore(%run_scoped3A : memref<!tpu.dma_semaphore, #tpu.memory_space<semaphore_mem>>)
        %dma_wait3A = arith.constant 0 : i32
        %dma_wait3A_37 = tpu.memref_slice %arg5[%arg0, %add3A_32, %dma_wait3A] : memref<2x10240x64xf32, #tpu.memory_space<hbm>> -> memref<1x128x64xf32, #tpu.memory_space<hbm>>
        %dma_wait3A_38 = tpu.memref_squeeze %dma_wait3A_37 : memref<1x128x64xf32, #tpu.memory_space<hbm>> -> memref<128x64xf32, #tpu.memory_space<hbm>>
        %dma_wait3A_39 = arith.constant 0 : i32
        %dma_wait3A_40 = tpu.memref_slice %arg10[%add3A_32, %dma_wait3A_39] : memref<10240x64xf32, #tpu.memory_space<vmem_shared>> -> memref<128x64xf32, #tpu.memory_space<vmem_shared>>
        tpu.wait_dma2 semaphore(%run_scoped3A : memref<!tpu.dma_semaphore, #tpu.memory_space<semaphore_mem>>) src(%dma_wait3A_40 : memref<128x64xf32, #tpu.memory_space<vmem_shared>>) dst(%dma_wait3A_38 : memref<128x64xf32, #tpu.memory_space<hbm>>)
        tpu.yield
      }) : () -> ()
    }
    %scan3A_22 = arith.constant 5 : i32
    return
  }
}

module attributes {stable_mosaic.version = 14 : i64} {
  func.func @_tc0_body(%arg0: memref<10000x128xf32, #tpu.memory_space<vmem>>, %arg1: memref<128x64xf32, #tpu.memory_space<vmem>>, %arg2: memref<10000x1xf32, #tpu.memory_space<vmem>>, %arg3: memref<10000x1xf32, #tpu.memory_space<vmem>>, %arg4: memref<10000x64xf32, #tpu.memory_space<vmem>>, %arg5: memref<10000x1xf32, #tpu.memory_space<vmem>>) attributes {dimension_semantics = [], scalar_prefetch = 0 : i64, scratch_operands = 0 : i64, tpu.core_type = #tpu.core_type<tc>} {
    %get3A = arith.constant 0 : index
    %get3A_0 = arith.constant 0 : index
    %get3A_1 = vector.load %arg0[%get3A, %get3A_0] : memref<10000x128xf32, #tpu.memory_space<vmem>>, vector<10000x128xf32>
    %reduce_sum3A = arith.constant dense<0.000000e+00> : vector<128xf32>
    %reduce_sum3A_2 = vector.multi_reduction <add>, %get3A_1, %reduce_sum3A [0] : vector<10000x128xf32> to vector<128xf32>
    %div3A = arith.constant 1.000000e+04 : f32
    %div3A_3 = vector.broadcast %div3A : f32 to vector<128xf32>
    %div3A_4 = arith.divf %reduce_sum3A_2, %div3A_3 : vector<128xf32>
    %jit3A = arith.constant 0 : i32
    %reduce_sum3A_5 = arith.constant dense<0.000000e+00> : vector<128xf32>
    %reduce_sum3A_6 = vector.multi_reduction <add>, %get3A_1, %reduce_sum3A_5 [0] : vector<10000x128xf32> to vector<128xf32>
    %broadcast_in_dim3A = vector.shape_cast %reduce_sum3A_6 : vector<128xf32> to vector<1x128xf32>
    %div3A_7 = arith.constant 1.000000e+04 : f32
    %div3A_8 = vector.broadcast %div3A_7 : f32 to vector<1x128xf32>
    %div3A_9 = arith.divf %broadcast_in_dim3A, %div3A_8 : vector<1x128xf32>
    %sub3A = vector.broadcast %div3A_9 : vector<1x128xf32> to vector<10000x128xf32>
    %sub3A_10 = arith.subf %get3A_1, %sub3A : vector<10000x128xf32>
    %square3A = arith.mulf %sub3A_10, %sub3A_10 : vector<10000x128xf32>
    %convert_element_type3A = arith.sitofp %jit3A : i32 to f32
    %sub3A_11 = arith.constant 1.000000e+04 : f32
    %sub3A_12 = arith.subf %sub3A_11, %convert_element_type3A : f32
    %reduce_sum3A_13 = arith.constant dense<0.000000e+00> : vector<128xf32>
    %reduce_sum3A_14 = vector.multi_reduction <add>, %square3A, %reduce_sum3A_13 [0] : vector<10000x128xf32> to vector<128xf32>
    %div3A_15 = vector.broadcast %sub3A_12 : f32 to vector<128xf32>
    %div3A_16 = arith.divf %reduce_sum3A_14, %div3A_15 : vector<128xf32>
    %gt3A = arith.constant 0.000000e+00 : f32
    %gt3A_17 = arith.cmpf ogt, %sub3A_12, %gt3A : f32
    %jit3A_18 = arith.constant 0x7FC00000 : f32
    %broadcast_in_dim3A_19 = vector.broadcast %jit3A_18 : f32 to vector<128xf32>
    %select_n3A = arith.select %gt3A_17, %div3A_16, %broadcast_in_dim3A_19 : vector<128xf32>
    %broadcast_in_dim3A_20 = vector.shape_cast %div3A_4 : vector<128xf32> to vector<1x128xf32>
    %sub3A_21 = vector.broadcast %broadcast_in_dim3A_20 : vector<1x128xf32> to vector<10000x128xf32>
    %sub3A_22 = arith.subf %get3A_1, %sub3A_21 : vector<10000x128xf32>
    %add3A = arith.constant 9.99999974E-6 : f32
    %add3A_23 = vector.broadcast %add3A : f32 to vector<128xf32>
    %add3A_24 = arith.addf %select_n3A, %add3A_23 : vector<128xf32>
    %sqrt3A = math.sqrt %add3A_24 : vector<128xf32>
    %broadcast_in_dim3A_25 = vector.shape_cast %sqrt3A : vector<128xf32> to vector<1x128xf32>
    %div3A_26 = vector.broadcast %broadcast_in_dim3A_25 : vector<1x128xf32> to vector<10000x128xf32>
    %div3A_27 = arith.divf %sub3A_22, %div3A_26 : vector<10000x128xf32>
    %mul3A = arith.constant 1.000000e+00 : f32
    %mul3A_28 = vector.broadcast %mul3A : f32 to vector<10000x128xf32>
    %mul3A_29 = arith.mulf %div3A_27, %mul3A_28 : vector<10000x128xf32>
    %add3A_30 = arith.constant 9.99999974E-5 : f32
    %add3A_31 = vector.broadcast %add3A_30 : f32 to vector<10000x128xf32>
    %add3A_32 = arith.addf %mul3A_29, %add3A_31 : vector<10000x128xf32>
    %get3A_33 = arith.constant 0 : index
    %get3A_34 = arith.constant 0 : index
    %get3A_35 = vector.load %arg1[%get3A_33, %get3A_34] : memref<128x64xf32, #tpu.memory_space<vmem>>, vector<128x64xf32>
    %dot_general3A = arith.constant dense<0.000000e+00> : vector<10000x64xf32>
    %dot_general3A_36 = tpu.matmul %add3A_32, %get3A_35, %dot_general3A {dimension_numbers = #tpu.dot_dimension_numbers<[1], [0], [0], [1], [0, 0, 1, 1], [], []>, transpose_lhs_hint = false} : vector<10000x128xf32>, vector<128x64xf32>, vector<10000x64xf32> -> vector<10000x64xf32>
    %get3A_37 = arith.constant 0 : index
    %get3A_38 = arith.constant 0 : index
    %get3A_39 = vector.load %arg2[%get3A_37, %get3A_38] : memref<10000x1xf32, #tpu.memory_space<vmem>>, vector<10000x1xf32>
    %get3A_40 = arith.constant 0 : index
    %get3A_41 = arith.constant 0 : index
    %get3A_42 = vector.load %arg3[%get3A_40, %get3A_41] : memref<10000x1xf32, #tpu.memory_space<vmem>>, vector<10000x1xf32>
    %add3A_43 = arith.addf %get3A_39, %get3A_42 : vector<10000x1xf32>
    %add3A_44 = arith.constant 1.000000e+00 : f32
    %add3A_45 = vector.broadcast %add3A_44 : f32 to vector<10000x1xf32>
    %add3A_46 = arith.addf %add3A_43, %add3A_45 : vector<10000x1xf32>
    %rsqrt3A = math.rsqrt %add3A_46 : vector<10000x1xf32>
    %swap3A = arith.constant 0 : index
    %swap3A_47 = arith.constant 0 : index
    %swap3A_48 = vector.load %arg5[%swap3A, %swap3A_47] : memref<10000x1xf32, #tpu.memory_space<vmem>>, vector<10000x1xf32>
    tpu.vector_store %arg5[%swap3A, %swap3A_47], %rsqrt3A {strides = array<i32>} : memref<10000x1xf32, #tpu.memory_space<vmem>>, vector<10000x1xf32>,
    %mul3A_49 = vector.broadcast %rsqrt3A : vector<10000x1xf32> to vector<10000x64xf32>
    %mul3A_50 = arith.mulf %dot_general3A_36, %mul3A_49 : vector<10000x64xf32>
    %swap3A_51 = arith.constant 0 : index
    %swap3A_52 = arith.constant 0 : index
    %swap3A_53 = vector.load %arg4[%swap3A_51, %swap3A_52] : memref<10000x64xf32, #tpu.memory_space<vmem>>, vector<10000x64xf32>
    tpu.vector_store %arg4[%swap3A_51, %swap3A_52], %mul3A_50 {strides = array<i32>} : memref<10000x64xf32, #tpu.memory_space<vmem>>, vector<10000x64xf32>,
    return
  }
}

module attributes {stable_mosaic.version = 14 : i64} {
  func.func @_tcmid_body(%arg0: memref<2x10240x64xf32, #tpu.memory_space<vmem>>, %arg1: memref<10000x64xf32, #tpu.memory_space<vmem>>, %arg2: memref<10000x1xf32, #tpu.memory_space<vmem>>, %arg3: memref<1x64xf32, #tpu.memory_space<vmem>>, %arg4: memref<64x64xf32, #tpu.memory_space<vmem>>, %arg5: memref<10000x64xf32, #tpu.memory_space<vmem>>) attributes {dimension_semantics = [], scalar_prefetch = 0 : i64, scratch_operands = 0 : i64, tpu.core_type = #tpu.core_type<tc>} {
    %get3A = arith.constant 0 : index
    %get3A_0 = arith.constant 0 : index
    %get3A_1 = arith.constant 0 : index
    %get3A_2 = vector.load %arg0[%get3A, %get3A_0, %get3A_1] : memref<2x10240x64xf32, #tpu.memory_space<vmem>>, vector<1x10000x64xf32>
    %get3A_3 = vector.shape_cast %get3A_2 : vector<1x10000x64xf32> to vector<10000x64xf32>
    %get3A_4 = arith.constant 1 : index
    %get3A_5 = arith.constant 0 : index
    %get3A_6 = arith.constant 0 : index
    %get3A_7 = vector.load %arg0[%get3A_4, %get3A_5, %get3A_6] : memref<2x10240x64xf32, #tpu.memory_space<vmem>>, vector<1x10000x64xf32>
    %get3A_8 = vector.shape_cast %get3A_7 : vector<1x10000x64xf32> to vector<10000x64xf32>
    %add3A = arith.addf %get3A_3, %get3A_8 : vector<10000x64xf32>
    %get3A_9 = arith.constant 0 : index
    %get3A_10 = arith.constant 0 : index
    %get3A_11 = vector.load %arg1[%get3A_9, %get3A_10] : memref<10000x64xf32, #tpu.memory_space<vmem>>, vector<10000x64xf32>
    %add3A_12 = arith.addf %add3A, %get3A_11 : vector<10000x64xf32>
    %get3A_13 = arith.constant 0 : index
    %get3A_14 = arith.constant 0 : index
    %get3A_15 = vector.load %arg2[%get3A_13, %get3A_14] : memref<10000x1xf32, #tpu.memory_space<vmem>>, vector<10000x1xf32>
    %mul3A = vector.broadcast %get3A_15 : vector<10000x1xf32> to vector<10000x64xf32>
    %mul3A_16 = arith.mulf %mul3A, %add3A_12 : vector<10000x64xf32>
    %get3A_17 = arith.constant 0 : index
    %get3A_18 = arith.constant 0 : index
    %get3A_19 = vector.load %arg3[%get3A_17, %get3A_18] : memref<1x64xf32, #tpu.memory_space<vmem>>, vector<1x64xf32>
    %add3A_20 = vector.broadcast %get3A_19 : vector<1x64xf32> to vector<10000x64xf32>
    %add3A_21 = arith.addf %mul3A_16, %add3A_20 : vector<10000x64xf32>
    %max3A = arith.constant 0.000000e+00 : f32
    %max3A_22 = vector.broadcast %max3A : f32 to vector<10000x64xf32>
    %max3A_23 = arith.maximumf %add3A_21, %max3A_22 : vector<10000x64xf32>
    %reduce_sum3A = arith.constant dense<0.000000e+00> : vector<64xf32>
    %reduce_sum3A_24 = vector.multi_reduction <add>, %max3A_23, %reduce_sum3A [0] : vector<10000x64xf32> to vector<64xf32>
    %div3A = arith.constant 1.000000e+04 : f32
    %div3A_25 = vector.broadcast %div3A : f32 to vector<64xf32>
    %div3A_26 = arith.divf %reduce_sum3A_24, %div3A_25 : vector<64xf32>
    %jit3A = arith.constant 0 : i32
    %reduce_sum3A_27 = arith.constant dense<0.000000e+00> : vector<64xf32>
    %reduce_sum3A_28 = vector.multi_reduction <add>, %max3A_23, %reduce_sum3A_27 [0] : vector<10000x64xf32> to vector<64xf32>
    %broadcast_in_dim3A = vector.shape_cast %reduce_sum3A_28 : vector<64xf32> to vector<1x64xf32>
    %div3A_29 = arith.constant 1.000000e+04 : f32
    %div3A_30 = vector.broadcast %div3A_29 : f32 to vector<1x64xf32>
    %div3A_31 = arith.divf %broadcast_in_dim3A, %div3A_30 : vector<1x64xf32>
    %sub3A = vector.broadcast %div3A_31 : vector<1x64xf32> to vector<10000x64xf32>
    %sub3A_32 = arith.subf %max3A_23, %sub3A : vector<10000x64xf32>
    %square3A = arith.mulf %sub3A_32, %sub3A_32 : vector<10000x64xf32>
    %convert_element_type3A = arith.sitofp %jit3A : i32 to f32
    %sub3A_33 = arith.constant 1.000000e+04 : f32
    %sub3A_34 = arith.subf %sub3A_33, %convert_element_type3A : f32
    %reduce_sum3A_35 = arith.constant dense<0.000000e+00> : vector<64xf32>
    %reduce_sum3A_36 = vector.multi_reduction <add>, %square3A, %reduce_sum3A_35 [0] : vector<10000x64xf32> to vector<64xf32>
    %div3A_37 = vector.broadcast %sub3A_34 : f32 to vector<64xf32>
    %div3A_38 = arith.divf %reduce_sum3A_36, %div3A_37 : vector<64xf32>
    %gt3A = arith.constant 0.000000e+00 : f32
    %gt3A_39 = arith.cmpf ogt, %sub3A_34, %gt3A : f32
    %jit3A_40 = arith.constant 0x7FC00000 : f32
    %broadcast_in_dim3A_41 = vector.broadcast %jit3A_40 : f32 to vector<64xf32>
    %select_n3A = arith.select %gt3A_39, %div3A_38, %broadcast_in_dim3A_41 : vector<64xf32>
    %broadcast_in_dim3A_42 = vector.shape_cast %div3A_26 : vector<64xf32> to vector<1x64xf32>
    %sub3A_43 = vector.broadcast %broadcast_in_dim3A_42 : vector<1x64xf32> to vector<10000x64xf32>
    %sub3A_44 = arith.subf %max3A_23, %sub3A_43 : vector<10000x64xf32>
    %add3A_45 = arith.constant 9.99999974E-6 : f32
    %add3A_46 = vector.broadcast %add3A_45 : f32 to vector<64xf32>
    %add3A_47 = arith.addf %select_n3A, %add3A_46 : vector<64xf32>
    %sqrt3A = math.sqrt %add3A_47 : vector<64xf32>
    %broadcast_in_dim3A_48 = vector.shape_cast %sqrt3A : vector<64xf32> to vector<1x64xf32>
    %div3A_49 = vector.broadcast %broadcast_in_dim3A_48 : vector<1x64xf32> to vector<10000x64xf32>
    %div3A_50 = arith.divf %sub3A_44, %div3A_49 : vector<10000x64xf32>
    %mul3A_51 = arith.constant 1.000000e+00 : f32
    %mul3A_52 = vector.broadcast %mul3A_51 : f32 to vector<10000x64xf32>
    %mul3A_53 = arith.mulf %div3A_50, %mul3A_52 : vector<10000x64xf32>
    %add3A_54 = arith.constant 9.99999974E-5 : f32
    %add3A_55 = vector.broadcast %add3A_54 : f32 to vector<10000x64xf32>
    %add3A_56 = arith.addf %mul3A_53, %add3A_55 : vector<10000x64xf32>
    %get3A_57 = arith.constant 0 : index
    %get3A_58 = arith.constant 0 : index
    %get3A_59 = vector.load %arg4[%get3A_57, %get3A_58] : memref<64x64xf32, #tpu.memory_space<vmem>>, vector<64x64xf32>
    %dot_general3A = arith.constant dense<0.000000e+00> : vector<10000x64xf32>
    %dot_general3A_60 = tpu.matmul %add3A_56, %get3A_59, %dot_general3A {dimension_numbers = #tpu.dot_dimension_numbers<[1], [0], [0], [1], [0, 0, 1, 1], [], []>, transpose_lhs_hint = false} : vector<10000x64xf32>, vector<64x64xf32>, vector<10000x64xf32> -> vector<10000x64xf32>
    %get3A_61 = arith.constant 0 : index
    %get3A_62 = arith.constant 0 : index
    %get3A_63 = vector.load %arg2[%get3A_61, %get3A_62] : memref<10000x1xf32, #tpu.memory_space<vmem>>, vector<10000x1xf32>
    %mul3A_64 = vector.broadcast %get3A_63 : vector<10000x1xf32> to vector<10000x64xf32>
    %mul3A_65 = arith.mulf %dot_general3A_60, %mul3A_64 : vector<10000x64xf32>
    %swap3A = arith.constant 0 : index
    %swap3A_66 = arith.constant 0 : index
    %swap3A_67 = vector.load %arg5[%swap3A, %swap3A_66] : memref<10000x64xf32, #tpu.memory_space<vmem>>, vector<10000x64xf32>
    tpu.vector_store %arg5[%swap3A, %swap3A_66], %mul3A_65 {strides = array<i32>} : memref<10000x64xf32, #tpu.memory_space<vmem>>, vector<10000x64xf32>,
    return
  }
}

module attributes {stable_mosaic.version = 14 : i64} {
  func.func @_tcend_body(%arg0: memref<2x10240x64xf32, #tpu.memory_space<vmem>>, %arg1: memref<10000x64xf32, #tpu.memory_space<vmem>>, %arg2: memref<10000x1xf32, #tpu.memory_space<vmem>>, %arg3: memref<1x64xf32, #tpu.memory_space<vmem>>, %arg4: memref<1x10000xi32, #tpu.memory_space<vmem>>, %arg5: memref<64x64xf32, #tpu.memory_space<vmem>>, %arg6: memref<1x64xf32, #tpu.memory_space<vmem>>, %arg7: memref<64x10xf32, #tpu.memory_space<vmem>>, %arg8: memref<1x10xf32, #tpu.memory_space<vmem>>, %arg9: memref<128x10xf32, #tpu.memory_space<vmem>>) attributes {dimension_semantics = [], scalar_prefetch = 0 : i64, scratch_operands = 0 : i64, tpu.core_type = #tpu.core_type<tc>} {
    %get3A = arith.constant 0 : index
    %get3A_0 = arith.constant 0 : index
    %get3A_1 = arith.constant 0 : index
    %get3A_2 = vector.load %arg0[%get3A, %get3A_0, %get3A_1] : memref<2x10240x64xf32, #tpu.memory_space<vmem>>, vector<1x10000x64xf32>
    %get3A_3 = vector.shape_cast %get3A_2 : vector<1x10000x64xf32> to vector<10000x64xf32>
    %get3A_4 = arith.constant 1 : index
    %get3A_5 = arith.constant 0 : index
    %get3A_6 = arith.constant 0 : index
    %get3A_7 = vector.load %arg0[%get3A_4, %get3A_5, %get3A_6] : memref<2x10240x64xf32, #tpu.memory_space<vmem>>, vector<1x10000x64xf32>
    %get3A_8 = vector.shape_cast %get3A_7 : vector<1x10000x64xf32> to vector<10000x64xf32>
    %add3A = arith.addf %get3A_3, %get3A_8 : vector<10000x64xf32>
    %get3A_9 = arith.constant 0 : index
    %get3A_10 = arith.constant 0 : index
    %get3A_11 = vector.load %arg1[%get3A_9, %get3A_10] : memref<10000x64xf32, #tpu.memory_space<vmem>>, vector<10000x64xf32>
    %add3A_12 = arith.addf %add3A, %get3A_11 : vector<10000x64xf32>
    %get3A_13 = arith.constant 0 : index
    %get3A_14 = arith.constant 0 : index
    %get3A_15 = vector.load %arg2[%get3A_13, %get3A_14] : memref<10000x1xf32, #tpu.memory_space<vmem>>, vector<10000x1xf32>
    %mul3A = vector.broadcast %get3A_15 : vector<10000x1xf32> to vector<10000x64xf32>
    %mul3A_16 = arith.mulf %mul3A, %add3A_12 : vector<10000x64xf32>
    %get3A_17 = arith.constant 0 : index
    %get3A_18 = arith.constant 0 : index
    %get3A_19 = vector.load %arg3[%get3A_17, %get3A_18] : memref<1x64xf32, #tpu.memory_space<vmem>>, vector<1x64xf32>
    %add3A_20 = vector.broadcast %get3A_19 : vector<1x64xf32> to vector<10000x64xf32>
    %add3A_21 = arith.addf %mul3A_16, %add3A_20 : vector<10000x64xf32>
    %max3A = arith.constant 0.000000e+00 : f32
    %max3A_22 = vector.broadcast %max3A : f32 to vector<10000x64xf32>
    %max3A_23 = arith.maximumf %add3A_21, %max3A_22 : vector<10000x64xf32>
    %iota3A = tpu.iota {dimensions = array<i32: 0>} : vector<128x1xi32>
    %get3A_24 = arith.constant 0 : index
    %get3A_25 = arith.constant 0 : index
    %get3A_26 = vector.load %arg4[%get3A_24, %get3A_25] : memref<1x10000xi32, #tpu.memory_space<vmem>>, vector<1x10000xi32>
    %eq3A = vector.broadcast %iota3A : vector<128x1xi32> to vector<128x10000xi32>
    %eq3A_27 = vector.broadcast %get3A_26 : vector<1x10000xi32> to vector<128x10000xi32>
    %eq3A_28 = arith.cmpi eq, %eq3A, %eq3A_27 : vector<128x10000xi32>
    %convert_element_type3A = arith.extui %eq3A_28 : vector<128x10000xi1> to vector<128x10000xi32>
    %convert_element_type3A_29 = arith.sitofp %convert_element_type3A : vector<128x10000xi32> to vector<128x10000xf32>
    %dot_general3A = arith.constant dense<0.000000e+00> : vector<128x64xf32>
    %dot_general3A_30 = tpu.matmul %convert_element_type3A_29, %max3A_23, %dot_general3A {dimension_numbers = #tpu.dot_dimension_numbers<[1], [0], [0], [1], [0, 0, 1, 1], [], []>, transpose_lhs_hint = false} : vector<128x10000xf32>, vector<10000x64xf32>, vector<128x64xf32> -> vector<128x64xf32>
    %reduce_sum3A = arith.constant dense<0.000000e+00> : vector<64xf32>
    %reduce_sum3A_31 = vector.multi_reduction <add>, %dot_general3A_30, %reduce_sum3A [0] : vector<128x64xf32> to vector<64xf32>
    %div3A = arith.constant 1.280000e+02 : f32
    %div3A_32 = vector.broadcast %div3A : f32 to vector<64xf32>
    %div3A_33 = arith.divf %reduce_sum3A_31, %div3A_32 : vector<64xf32>
    %jit3A = arith.constant 0 : i32
    %reduce_sum3A_34 = arith.constant dense<0.000000e+00> : vector<64xf32>
    %reduce_sum3A_35 = vector.multi_reduction <add>, %dot_general3A_30, %reduce_sum3A_34 [0] : vector<128x64xf32> to vector<64xf32>
    %broadcast_in_dim3A = vector.shape_cast %reduce_sum3A_35 : vector<64xf32> to vector<1x64xf32>
    %div3A_36 = arith.constant 1.280000e+02 : f32
    %div3A_37 = vector.broadcast %div3A_36 : f32 to vector<1x64xf32>
    %div3A_38 = arith.divf %broadcast_in_dim3A, %div3A_37 : vector<1x64xf32>
    %sub3A = vector.broadcast %div3A_38 : vector<1x64xf32> to vector<128x64xf32>
    %sub3A_39 = arith.subf %dot_general3A_30, %sub3A : vector<128x64xf32>
    %square3A = arith.mulf %sub3A_39, %sub3A_39 : vector<128x64xf32>
    %convert_element_type3A_40 = arith.sitofp %jit3A : i32 to f32
    %sub3A_41 = arith.constant 1.280000e+02 : f32
    %sub3A_42 = arith.subf %sub3A_41, %convert_element_type3A_40 : f32
    %reduce_sum3A_43 = arith.constant dense<0.000000e+00> : vector<64xf32>
    %reduce_sum3A_44 = vector.multi_reduction <add>, %square3A, %reduce_sum3A_43 [0] : vector<128x64xf32> to vector<64xf32>
    %div3A_45 = vector.broadcast %sub3A_42 : f32 to vector<64xf32>
    %div3A_46 = arith.divf %reduce_sum3A_44, %div3A_45 : vector<64xf32>
    %gt3A = arith.constant 0.000000e+00 : f32
    %gt3A_47 = arith.cmpf ogt, %sub3A_42, %gt3A : f32
    %jit3A_48 = arith.constant 0x7FC00000 : f32
    %broadcast_in_dim3A_49 = vector.broadcast %jit3A_48 : f32 to vector<64xf32>
    %select_n3A = arith.select %gt3A_47, %div3A_46, %broadcast_in_dim3A_49 : vector<64xf32>
    %broadcast_in_dim3A_50 = vector.shape_cast %div3A_33 : vector<64xf32> to vector<1x64xf32>
    %sub3A_51 = vector.broadcast %broadcast_in_dim3A_50 : vector<1x64xf32> to vector<128x64xf32>
    %sub3A_52 = arith.subf %dot_general3A_30, %sub3A_51 : vector<128x64xf32>
    %add3A_53 = arith.constant 9.99999974E-6 : f32
    %add3A_54 = vector.broadcast %add3A_53 : f32 to vector<64xf32>
    %add3A_55 = arith.addf %select_n3A, %add3A_54 : vector<64xf32>
    %sqrt3A = math.sqrt %add3A_55 : vector<64xf32>
    %broadcast_in_dim3A_56 = vector.shape_cast %sqrt3A : vector<64xf32> to vector<1x64xf32>
    %div3A_57 = vector.broadcast %broadcast_in_dim3A_56 : vector<1x64xf32> to vector<128x64xf32>
    %div3A_58 = arith.divf %sub3A_52, %div3A_57 : vector<128x64xf32>
    %mul3A_59 = arith.constant 1.000000e+00 : f32
    %mul3A_60 = vector.broadcast %mul3A_59 : f32 to vector<128x64xf32>
    %mul3A_61 = arith.mulf %div3A_58, %mul3A_60 : vector<128x64xf32>
    %add3A_62 = arith.constant 9.99999974E-5 : f32
    %add3A_63 = vector.broadcast %add3A_62 : f32 to vector<128x64xf32>
    %add3A_64 = arith.addf %mul3A_61, %add3A_63 : vector<128x64xf32>
    %get3A_65 = arith.constant 0 : index
    %get3A_66 = arith.constant 0 : index
    %get3A_67 = vector.load %arg5[%get3A_65, %get3A_66] : memref<64x64xf32, #tpu.memory_space<vmem>>, vector<64x64xf32>
    %dot_general3A_68 = arith.constant dense<0.000000e+00> : vector<128x64xf32>
    %dot_general3A_69 = tpu.matmul %add3A_64, %get3A_67, %dot_general3A_68 {dimension_numbers = #tpu.dot_dimension_numbers<[1], [0], [0], [1], [0, 0, 1, 1], [], []>, transpose_lhs_hint = false} : vector<128x64xf32>, vector<64x64xf32>, vector<128x64xf32> -> vector<128x64xf32>
    %get3A_70 = arith.constant 0 : index
    %get3A_71 = arith.constant 0 : index
    %get3A_72 = vector.load %arg6[%get3A_70, %get3A_71] : memref<1x64xf32, #tpu.memory_space<vmem>>, vector<1x64xf32>
    %add3A_73 = vector.broadcast %get3A_72 : vector<1x64xf32> to vector<128x64xf32>
    %add3A_74 = arith.addf %dot_general3A_69, %add3A_73 : vector<128x64xf32>
    %max3A_75 = arith.constant 0.000000e+00 : f32
    %max3A_76 = vector.broadcast %max3A_75 : f32 to vector<128x64xf32>
    %max3A_77 = arith.maximumf %add3A_74, %max3A_76 : vector<128x64xf32>
    %reduce_sum3A_78 = arith.constant dense<0.000000e+00> : vector<64xf32>
    %reduce_sum3A_79 = vector.multi_reduction <add>, %max3A_77, %reduce_sum3A_78 [0] : vector<128x64xf32> to vector<64xf32>
    %div3A_80 = arith.constant 1.280000e+02 : f32
    %div3A_81 = vector.broadcast %div3A_80 : f32 to vector<64xf32>
    %div3A_82 = arith.divf %reduce_sum3A_79, %div3A_81 : vector<64xf32>
    %jit3A_83 = arith.constant 0 : i32
    %reduce_sum3A_84 = arith.constant dense<0.000000e+00> : vector<64xf32>
    %reduce_sum3A_85 = vector.multi_reduction <add>, %max3A_77, %reduce_sum3A_84 [0] : vector<128x64xf32> to vector<64xf32>
    %broadcast_in_dim3A_86 = vector.shape_cast %reduce_sum3A_85 : vector<64xf32> to vector<1x64xf32>
    %div3A_87 = arith.constant 1.280000e+02 : f32
    %div3A_88 = vector.broadcast %div3A_87 : f32 to vector<1x64xf32>
    %div3A_89 = arith.divf %broadcast_in_dim3A_86, %div3A_88 : vector<1x64xf32>
    %sub3A_90 = vector.broadcast %div3A_89 : vector<1x64xf32> to vector<128x64xf32>
    %sub3A_91 = arith.subf %max3A_77, %sub3A_90 : vector<128x64xf32>
    %square3A_92 = arith.mulf %sub3A_91, %sub3A_91 : vector<128x64xf32>
    %convert_element_type3A_93 = arith.sitofp %jit3A_83 : i32 to f32
    %sub3A_94 = arith.constant 1.280000e+02 : f32
    %sub3A_95 = arith.subf %sub3A_94, %convert_element_type3A_93 : f32
    %reduce_sum3A_96 = arith.constant dense<0.000000e+00> : vector<64xf32>
    %reduce_sum3A_97 = vector.multi_reduction <add>, %square3A_92, %reduce_sum3A_96 [0] : vector<128x64xf32> to vector<64xf32>
    %div3A_98 = vector.broadcast %sub3A_95 : f32 to vector<64xf32>
    %div3A_99 = arith.divf %reduce_sum3A_97, %div3A_98 : vector<64xf32>
    %gt3A_100 = arith.constant 0.000000e+00 : f32
    %gt3A_101 = arith.cmpf ogt, %sub3A_95, %gt3A_100 : f32
    %jit3A_102 = arith.constant 0x7FC00000 : f32
    %broadcast_in_dim3A_103 = vector.broadcast %jit3A_102 : f32 to vector<64xf32>
    %select_n3A_104 = arith.select %gt3A_101, %div3A_99, %broadcast_in_dim3A_103 : vector<64xf32>
    %broadcast_in_dim3A_105 = vector.shape_cast %div3A_82 : vector<64xf32> to vector<1x64xf32>
    %sub3A_106 = vector.broadcast %broadcast_in_dim3A_105 : vector<1x64xf32> to vector<128x64xf32>
    %sub3A_107 = arith.subf %max3A_77, %sub3A_106 : vector<128x64xf32>
    %add3A_108 = arith.constant 9.99999974E-6 : f32
    %add3A_109 = vector.broadcast %add3A_108 : f32 to vector<64xf32>
    %add3A_110 = arith.addf %select_n3A_104, %add3A_109 : vector<64xf32>
    %sqrt3A_111 = math.sqrt %add3A_110 : vector<64xf32>
    %broadcast_in_dim3A_112 = vector.shape_cast %sqrt3A_111 : vector<64xf32> to vector<1x64xf32>
    %div3A_113 = vector.broadcast %broadcast_in_dim3A_112 : vector<1x64xf32> to vector<128x64xf32>
    %div3A_114 = arith.divf %sub3A_107, %div3A_113 : vector<128x64xf32>
    %mul3A_115 = arith.constant 1.000000e+00 : f32
    %mul3A_116 = vector.broadcast %mul3A_115 : f32 to vector<128x64xf32>
    %mul3A_117 = arith.mulf %div3A_114, %mul3A_116 : vector<128x64xf32>
    %add3A_118 = arith.constant 9.99999974E-5 : f32
    %add3A_119 = vector.broadcast %add3A_118 : f32 to vector<128x64xf32>
    %add3A_120 = arith.addf %mul3A_117, %add3A_119 : vector<128x64xf32>
    %get3A_121 = arith.constant 0 : index
    %get3A_122 = arith.constant 0 : index
    %get3A_123 = vector.load %arg7[%get3A_121, %get3A_122] : memref<64x10xf32, #tpu.memory_space<vmem>>, vector<64x10xf32>
    %dot_general3A_124 = arith.constant dense<0.000000e+00> : vector<128x10xf32>
    %dot_general3A_125 = tpu.matmul %add3A_120, %get3A_123, %dot_general3A_124 {dimension_numbers = #tpu.dot_dimension_numbers<[1], [0], [0], [1], [0, 0, 1, 1], [], []>, transpose_lhs_hint = false} : vector<128x64xf32>, vector<64x10xf32>, vector<128x10xf32> -> vector<128x10xf32>
    %get3A_126 = arith.constant 0 : index
    %get3A_127 = arith.constant 0 : index
    %get3A_128 = vector.load %arg8[%get3A_126, %get3A_127] : memref<1x10xf32, #tpu.memory_space<vmem>>, vector<1x10xf32>
    %add3A_129 = vector.broadcast %get3A_128 : vector<1x10xf32> to vector<128x10xf32>
    %add3A_130 = arith.addf %dot_general3A_125, %add3A_129 : vector<128x10xf32>
    %reduce_max3A = arith.constant dense<0xFF800000> : vector<128xf32>
    %reduce_max3A_131 = vector.multi_reduction <maximumf>, %add3A_130, %reduce_max3A [1] : vector<128x10xf32> to vector<128xf32>
    %broadcast_in_dim3A_132 = vector.shape_cast %reduce_max3A_131 : vector<128xf32> to vector<128x1xf32>
    %sub3A_133 = vector.broadcast %broadcast_in_dim3A_132 : vector<128x1xf32> to vector<128x10xf32>
    %sub3A_134 = arith.subf %add3A_130, %sub3A_133 : vector<128x10xf32>
    %sub3A_135 = vector.broadcast %broadcast_in_dim3A_132 : vector<128x1xf32> to vector<128x10xf32>
    %sub3A_136 = arith.subf %add3A_130, %sub3A_135 : vector<128x10xf32>
    %exp3A = math.exp %sub3A_136 : vector<128x10xf32>
    %reduce_sum3A_137 = arith.constant dense<0.000000e+00> : vector<128xf32>
    %reduce_sum3A_138 = vector.multi_reduction <add>, %exp3A, %reduce_sum3A_137 [1] : vector<128x10xf32> to vector<128xf32>
    %broadcast_in_dim3A_139 = vector.shape_cast %reduce_sum3A_138 : vector<128xf32> to vector<128x1xf32>
    %log3A = math.log %broadcast_in_dim3A_139 : vector<128x1xf32>
    %sub3A_140 = vector.broadcast %log3A : vector<128x1xf32> to vector<128x10xf32>
    %sub3A_141 = arith.subf %sub3A_134, %sub3A_140 : vector<128x10xf32>
    %swap3A = arith.constant 0 : index
    %swap3A_142 = arith.constant 0 : index
    %swap3A_143 = vector.load %arg9[%swap3A, %swap3A_142] : memref<128x10xf32, #tpu.memory_space<vmem>>, vector<128x10xf32>
    tpu.vector_store %arg9[%swap3A, %swap3A_142], %sub3A_141 {strides = array<i32>} : memref<128x10xf32, #tpu.memory_space<vmem>>, vector<128x10xf32>,
    return
  }
}

</mosaic_0001>

<sc_bundles>
// kernel: kernel.10.cloned.1.call-start
scs
__scs_entry_jumppad:
0x0: {  	(pc) =	sbr.rel $0x88, $3  }
0x1: {  	(tag) =	ssettag $0x0;
	lr =	simm.s32 $0x1  }
0x2: {  	[smem:$0x3F94] =	sst lr;
	_ =	strace $0xD0000000  }
0x3: {  	_ = 	snop  }
0x4: {  	_ = 	snop  }
0x5: {  	_ = 	snop  }
0x6: {  	_ = 	snop  }
0x7: {  	_ = 	snop  }
__scs_overlays_trampoline_lowered:
0x8: {  	[smem:$0x3FA3] =	sst s0  }
0x9: {  	[smem:$0x3FA4] =	sst s1  }
0xa: {  	[smem:$0x3FA5] =	sst s2  }
0xb: {  	[smem:$0x3FA6] =	sst s3  }
0xc: {  	[smem:$0x3FA7] =	sst s4  }
0xd: {  	[smem:$0x3FA8] =	sst s5  }
0xe: {  	[smem:$0x3FA9] =	sst s6  }
0xf: {  	[smem:$0x3FAA] =	sst s7  }
0x10: {  	[smem:$0x3FAB] =	sst s8  }
0x11: {  	[smem:$0x3FAC] =	sst s9;
	s0 =	simm.s32 @!p0 $0x0  }
0x12: {  	s1 =	sld [smem:$0x3F92];
	s0 =	simm.s32 @p0 $0x1  }
0x13: {  	[smem:$0x3FAD] =	sst s0;
	s0 =	simm.s32 @!p1 $0x0  }
0x14: {  	s2 =	sld [smem:$0x3F91];
	s0 =	simm.s32 @p1 $0x1  }
0x15: {  	[smem:$0x3FAE] =	sst s0;
	s0 =	simm.s32 @!p2 $0x0  }
0x16: {  	s3 =	sld [smem:$0x3FDB];
	s0 =	simm.s32 @p2 $0x1  }
0x17: {  	s4 =	simm.s32 $0x1BF5;
	[smem:$0x3FB0] =	sst s0  }
0x18: {  	s0 =	sld [smem:$0x3F93];
	_ =	swait.ge [sflag:s4], $0x0  }
0x19: {  	s7 =	sld [smem:$0x3F94]  }
0x1a: {  	s8 =	sadd.s32 $0xFFFFE003, lr  }
0x1b: {  	s9 =	sadd.s32 $0xFFFFFEF7, lr;
	s5 =	simm.s32 $0xFFFFFFFF;
	p2 =	slt.u32 s8, $0xFFFFF086  }
0x1c: {  	p1 =	slt.u32 s9, $0xF7A;
	s5 =	simm.s32 @!p2 $0x0  }
0x1d: {  	s5 =	simm.s32 @p1 $0x1;
	p0 =	seq.s32 s7, s2  }
0x1e: {  	s7 =	smul.u32 @!p0 $0xF7A, s2;
	p2 =	seq.s32 @!p0 s5, $0x0  }
0x1f: {  	s9 =	smul.u32 $0xF7A, s1;
	s8 =	simm.s32 @!p0 $0x1BF5;
	p2 =	por !p2, p0  }
0x20: {  	[sflag:s8] =	ssyncset.s32 @!p0 $0xFFFFF086;
	s6 =	sadd.s32 @!p0 s3, s7;
	s7 =	simm.s32 @!p0 $0x108  }
0x21: {  	s3 =	sadd.s32 s3, s9;
	s6 =	sadd.s32 @!p0 $0x88, s6;
	s7 =	simm.s32 @p2 $0x1082  }
0x22: {  	[simem:s7], [sflag:s8] =	dma.local @!p0 [hbm:s6], $0xF7A  }
0x23: {  	s9 =	sor.u32 $0xD0000000, s2;
	s6 =	simm.s32 $0x108;
	_ =	swait.ge @!p0 [sflag:s8], $0x0  }
0x24: {  	s3 =	sadd.s32 $0x88, s3;
	s6 =	simm.s32 @!p1 $0x1082;
	[sflag:s4] =	ssyncset.s32 $0xFFFFF086  }
0x25: {  	[simem:s6], [sflag:s4] =	dma.local [hbm:s3], $0xF7A  }
0x26: {  	[smem:$0x3F94] =	sst s1;
	(tag) =	ssettag s2;
	_ =	strace s9  }
0x27: {  	s1 =	sld [smem:$0x3FA4]  }
0x28: {  	s2 =	sld [smem:$0x3FA5]  }
0x29: {  	s4 =	sld [smem:$0x3FA7]  }
0x2a: {  	p0 =	seq.s32 s5, $0x0;
	s5 =	sld [smem:$0x3FA8]  }
0x2b: {  	s6 =	sld [smem:$0x3FA9]  }
0x2c: {  	s7 =	sld [smem:$0x3FAA]  }
0x2d: {  	s3 =	simm.s32 $0x108;
	s8 =	sld [smem:$0x3FAB]  }
0x2e: {  	s3 =	simm.s32 @!p0 $0x1082;
	s9 =	sld [smem:$0x3FAC]  }
0x2f: {  	lr =	sadd.s32 s0, s3;
	s0 =	sld [smem:$0x3FA3]  }
0x30: {  	s3 =	sld [smem:$0x3FA6]  }
0x31: {  	[smem:$0x3FAF] =	sst s10  }
0x32: {  	s10 =	sld [smem:$0x3FAD];
	_ =	sdelay $0x3  }
0x33: {  	p0 =	seq.s32 s10, $0x1;
	s10 =	sld [smem:$0x3FAF];
	_ =	sdelay $0x3  }
0x34: {  	[smem:$0x3FAF] =	sst s10  }
0x35: {  	s10 =	sld [smem:$0x3FAE];
	_ =	sdelay $0x3  }
0x36: {  	p1 =	seq.s32 s10, $0x1;
	s10 =	sld [smem:$0x3FAF];
	_ =	sdelay $0x3  }
0x37: {  	[smem:$0x3FAF] =	sst s10  }
0x38: {  	s10 =	sld [smem:$0x3FB0]  }
0x39: {  	_ = 	snop;
	(pc) =	sbr.ind lr, $3  }
0x3a: {  	_ = 	snop  }
0x3b: {  	_ = 	snop  }
0x3c: {  	p2 =	seq.s32 s10, $0x1;
	s10 =	sld [smem:$0x3FAF]  }
0x3d: {  	_ =	shalt  }
0x3e: {  	_ =	shalt  }
0x3f: {  	_ =	shalt  }
0x40: {  	_ =	shalt  }
0x41: {  	_ =	shalt  }
0x42: {  	_ =	shalt  }
0x43: {  	_ =	shalt  }
0x44: {  	_ =	shalt  }
0x45: {  	_ =	shalt  }
0x46: {  	_ =	shalt  }
0x47: {  	_ =	shalt  }
0x48: {  	_ =	shalt  }
0x49: {  	_ =	shalt  }
0x4a: {  	_ =	shalt  }
0x4b: {  	_ =	shalt  }
0x4c: {  	_ =	shalt  }
0x4d: {  	_ =	shalt  }
0x4e: {  	_ =	shalt  }
0x4f: {  	_ =	shalt  }
0x50: {  	_ =	shalt  }
0x51: {  	_ =	shalt  }
0x52: {  	_ =	shalt  }
0x53: {  	_ =	shalt  }
0x54: {  	_ =	shalt  }
0x55: {  	_ =	shalt  }
0x56: {  	_ =	shalt  }
0x57: {  	_ =	shalt  }
0x58: {  	_ =	shalt  }
0x59: {  	_ =	shalt  }
0x5a: {  	_ =	shalt  }
0x5b: {  	_ =	shalt  }
0x5c: {  	_ =	shalt  }
0x5d: {  	_ =	shalt  }
0x5e: {  	_ =	shalt  }
0x5f: {  	_ =	shalt  }
0x60: {  	_ =	shalt  }
0x61: {  	_ =	shalt  }
0x62: {  	_ =	shalt  }
0x63: {  	_ =	shalt  }
0x64: {  	_ =	shalt  }
0x65: {  	_ =	shalt  }
0x66: {  	_ =	shalt  }
0x67: {  	_ =	shalt  }
0x68: {  	_ =	shalt  }
0x69: {  	_ =	shalt  }
0x6a: {  	_ =	shalt  }
0x6b: {  	_ =	shalt  }
0x6c: {  	_ =	shalt  }
0x6d: {  	_ =	shalt  }
0x6e: {  	_ =	shalt  }
0x6f: {  	_ =	shalt  }
0x70: {  	_ =	shalt  }
0x71: {  	_ =	shalt  }
0x72: {  	_ =	shalt  }
0x73: {  	_ =	shalt  }
0x74: {  	_ =	shalt  }
0x75: {  	_ =	shalt  }
0x76: {  	_ =	shalt  }
0x77: {  	_ =	shalt  }
0x78: {  	_ =	shalt  }
0x79: {  	_ =	shalt  }
0x7a: {  	_ =	shalt  }
0x7b: {  	_ =	shalt  }
0x7c: {  	_ =	shalt  }
0x7d: {  	_ =	shalt  }
0x7e: {  	_ =	shalt  }
0x7f: {  	_ =	shalt  }
0x80: {  	_ =	shalt  }
0x81: {  	_ =	shalt  }
0x82: {  	_ =	shalt  }
0x83: {  	_ =	shalt  }
0x84: {  	_ =	shalt  }
0x85: {  	_ =	shalt  }
0x86: {  	_ =	shalt  }
0x87: {  	_ =	shalt  }
.Lfunc_end0:
.L_simem_size_0:
called_computation_lowered:
.L_overlay_start_0:
0x88: {  	s2 =	sld [smem:$0x3FD9]  }
0x89: {  	s3 =	sld [smem:$0x3FFE];
	_ =	sdelay $0x1  }
0x8a: {  	s1 =	srdreg.scid  }
0x8b: {  	s0 =	sand.u32 $0x1, s1  }
0x8c: {  	s16 =	sshll.u32 s0, $0xA;
	s2 =	sadd.s32 s3, s2  }
0x8d: {  	s2 =	sadd.s32 s2, s16  }
0x8e: {  	[smem:$0x3FBB] =	sst s2  }
0x8f: {  	_ = 	snop  }
0x90: {  	(tm) =	ssettm $0x1  }
0x91: {  	s17 =	sld [smem:$0x3FFB];
	_ =	sdelay $0x3  }
0x92: {  	_ =	strace s17  }
0x93: {  	s2 =	sld [smem:$0x3FFC];
	_ =	sdelay $0x3  }
0x94: {  	_ =	strace s2  }
0x95: {  	s2 =	sld [smem:$0x3FFD];
	_ =	sdelay $0x3  }
0x96: {  	_ =	strace s2  }
0x97: {  	_ =	strace $0x8FFFFFFF  }
0x98: {  	s18 =	sld [smem:$0x3FDB];
	_ =	sdelay $0x1  }
0x99: {  	s19 =	simm.s32 $_scs_section_size  }
0x9a: {  	s4 =	simm.s32 $_size__tile_overlayer_lowered;
	s5 =	simm.s32 $_tile_overlayer_lowered  }
0x9b: {  	s22 =	simm.s32 $0x1BFF;
	s21 =	sshll.u32 s5, $0x1;
	s2 =	sadd.s32 s19, s18  }
0x9c: {  	s6 =	simm.s32 $0x0;
	s20 =	sshll.u32 s4, $0x1;
	s4 =	sadd.s32 s21, s2  }
0x9d: {  	[timem:s6], [sflag:s22] =	dma.local [hbm:s4], s20  }
0x9e: {  	_ =	swait.ge [sflag:s22], s20  }
0x9f: {  	s3 =	ssub.s32 $0x0, s20;
	[sflag:s22] =	ssyncset.done $0x0  }
0xa0: {  	[sflag:s22] =	ssyncadd.s32 s3;
	_ =	sdelay $0x1  }
0xa1: {  	s23 =	simm.s32 $0x1B8B  }
0xa2: {  	_ =	swait.ge [sflag:s23], $0x1  }
0xa3: {  	[sflag:s23] =	ssyncset.done $0x0  }
0xa4: {  	s25 =	simm.s32 $0x1B8E;
	s24 =	sld [smem:$0x3FFE];
	[sflag:s23] =	ssyncadd.s32 $0xFFFFFFFF  }
0xa5: {  	s26 =	simm.s32 $execute0_lowered;
	[smem:$0x3FD2] =	sst s25  }
0xa6: {  	s4 =	sshll.u32 s26, $0x1;
	_ =	strace $0x80000046;
	[dreg:$0x1] =	wrdreg $0xFFFFFFFF  }
0xa7: {  	s28 =	simm.s32 $_size_execute0_lowered;
	s2 =	sadd.s32 s2, s4;
	[dreg:$0x0] =	wrdreg $0x0  }
0xa8: {  	s4 =	sshll.u32 s28, $0x1;
	[dreg:$0x2] =	wrdreg s2  }
0xa9: {  	[dreg:$0x3] =	wrdreg s4  }
0xaa: {  	[dreg:$0x4] =	wrdreg $0xC0  }
0xab: {  	_ =	task [dreg:s6], $0x5FFFF  }
0xac: {  	[dreg:$0x1] =	wrdreg $0xFFFFFFFF  }
0xad: {  	[dreg:$0x0] =	wrdreg $0x60  }
0xae: {  	[dreg:$0x2] =	wrdreg s24  }
0xaf: {  	[dreg:$0x3] =	wrdreg $0x10800  }
0xb0: {  	[dreg:$0x4] =	wrdreg $0x9  }
0xb1: {  	_ =	task.clear_ibuf [dreg:s6], $0x5FFFF;
	_ =	strace $0x90000046  }
0xb2: {  	s29 =	simm.s32 $0x9;
	_ =	strace $0x80000048  }
0xb3: {  	_ =	swait.ge [sflag:s29], $0x1  }
0xb4: {  	[sflag:s29] =	ssyncadd.s32 $0xFFFFFFFF  }
0xb5: {  	_ =	strace $0x90000048  }
0xb6: {  	_ =	sfence  }
0xb7: {  	s30 =	sld [smem:$0x0];
	_ =	sdelay $0x2  }
0xb8: {  	s31 =	sshll.u32 s1, $0xD;
	s1 =	sshrl.u32 s1, $0x2  }
0xb9: {  	s3 =	sand.u32 $0x4000, s31;
	s1 =	sadd.s32 s1, s30  }
0xba: {  	s0 =	sor.u32 s3, s0;
	s1 =	sshll.u32 s1, $0x11  }
0xbb: {  	s0 =	sor.u32 s1, s0  }
0xbc: {  	s0 =	sadd.s32 $0x8F2B, s0  }
0xbd: {  	[sflag:s0] =	ssyncadd.remote.s32 $0x1  }
0xbe: {  	_ =	sfence.sel $0xFFFF  }
0xbf: {  	[dreg:$0x0] =	wrdreg $0xFFFFFFFF;
	(pc) =	sbr.abs _section_cstart, $3  }
0xc0: {  	[dreg:$0x1] =	wrdreg $0xFFFFFFFF  }
0xc1: {  	_ =	task.clear_ibuf [dreg:s6], $0x2FFFF;
	_ =	strace $0x9FFFFFFF  }
0xc2: {  	(tm) =	ssettm $0x7FFFFFFF  }
0xc3: {  	_ =	shalt  }
tec
execute0_lowered:
.L_overlay_start_1:
0x0: {  	(tag) =	ssettag $0x1  }
0x1: {  	s0 =	srdreg.scid;
	s4 =	rddreg [dreg:$0x0]  }
0x2: {  	s2 =	rddreg [dreg:$0x1];
	s5 =	sand.u32 $0x1, s0  }
0x3: {  	s0 =	stileid.u32;
	s6 =	smul.u32 $0x27800, s5  }
0x4: {  	s1 =	rddreg [dreg:$0x2];
	s3 =	simm.s32 $0x0;
	s7 =	smul.u32 $0x2780, s0  }
0x5: {  	[smem:$0x7FF] =	sst s3;
	s13 =	smul.u32 $0x28000, s5  }
0x6: {  	s16 =	sadd.s32 $0xC800, s4;
	s14 =	smul.u32 $0x2800, s0;
	s23 =	ssub.s32 $0x2, s5  }
0x7: {  	_ =	strace $0x80000047;
	s22 =	smul.u32 $0xA000, s0;
	s25 =	sshrl.u32 s23, $0x1  }
0x8: {  	s6 =	sadd.s32 s7, s6;
	s24 =	sadd.s32 s13, s14;
	s7 =	ssub.s32 s23, s25  }
0x9: {  	s12 =	sadd.s32 $0x800, s14;
	s17 =	sadd.s32 $0x1000, s14;
	s19 =	sadd.s32 s14, s2  }
0xa: {  	s28 =	sadd.s32 $0x1800, s14;
	s6 =	sshrl.u32 s6, $0x3;
	s5 =	sshrl.u32 s24, $0x3  }
0xb: {  	s11 =	sadd.s32 s13, s12;
	s18 =	sadd.s32 s13, s17;
	s20 =	sadd.s32 s12, s2  }
0xc: {  	s21 =	sadd.s32 s13, s28;
	s23 =	sadd.s32 s17, s2;
	s24 =	sadd.s32 s28, s2  }
0xd: {  	s17 =	simm.s32 $0x1;
	s19 =	sshrl.u32 s19, $0x3;
	s15 =	sadd.s32 s6, s4  }
0xe: {  	s6 =	sshrl.u32 s22, $0x2;
	s5 =	sadd.s32 s16, s5;
	s11 =	sshrl.u32 s11, $0x3  }
0xf: {  	s26 =	sshrl.u32 s18, $0x3;
	s22 =	sadd.s32 $0x2000, s14;
	s29 =	sshrl.u32 s21, $0x3  }
0x10: {  	s18 =	simm.s32 $0x80;
	s20 =	sshrl.u32 s20, $0x3;
	s21 =	sshrl.u32 s23, $0x3  }
0x11: {  	s4 =	sadd.s32 s6, s2;
	s6 =	smax.u32 s7, $0x1;
	s11 =	sadd.s32 s16, s11  }
0x12: {  	s12 =	sadd.s32 s16, s26;
	s30 =	sadd.s32 s13, s22;
	s13 =	sadd.s32 s16, s29  }
0x13: {  	s25 =	sadd.s32 s22, s2;
	s15 =	sadd.s32 $0x2A00, s15;
	s22 =	sshrl.u32 s24, $0x3  }
0x14: {  	s24 =	simm.s32 $0x0;
	s7 =	sadd.s32 $0x800, s4;
	s8 =	sadd.s32 $0x1000, s4  }
0x15: {  	s9 =	sadd.s32 $0x1800, s4;
	s10 =	sadd.s32 $0x2000, s4;
	s31 =	sshrl.u32 s30, $0x3  }
0x16: {  	v0 =	vimm.f32 $1.000000000e+00;
	v1 =	vimm.f32 $0.0e+00;
	s23 =	sshrl.u32 s25, $0x3;
	s14 =	sadd.s32 s16, s31;
	s16 =	simm.s32 $0x880  }
.LBB2_1:
0x17: {  	s25 =	simm.s32 $0x40;
	s26 =	simm.s32 $0x0  }
.LBB2_2:
0x18: {  	p0 =	sne.s32 s25, $0x1FC0;
	[tilespmem:s26+$0x80] =	vst v0;
	s28 =	smov.u32 s25;
	s25 =	sadd.s32 $0x40, s25  }
.Ltmp0:
0x19: {  	[tilespmem:s26+$0x880] =	vst v1;
	(pc) =	sbr.rel @p0 .LBB2_2-.Ltmp0, $2  }
0x1a: {  	_ =	sdelay $0x2  }
0x1b: {  	s26 =	sshra.s32 s28, $0x2  }
0x1c: {  	[tilespmem:s26+$0x80] =	vst v0  }
0x1d: {  	[tilespmem:s26+$0x880] =	vst v1  }
0x1e: {  	[spmem:s4] =	stream.linear.scatter [tilespmem:s16], [sflag:$0x1], $0x800, $0x38;
	[tilespmem:$0x3880] =	vst v63  }
0x1f: {  	_ =	swait.ge [sflag:s17], $0x800  }
0x20: {  	[sflag:s17] =	ssyncset.done $0x0  }
0x21: {  	[sflag:s17] =	ssyncadd.s32 $0xFFFFF800  }
0x22: {  	[spmem:s7] =	stream.linear.scatter [tilespmem:s16], [sflag:$0x1], $0x800, $0x38;
	[tilespmem:$0x3880] =	vst v63  }
0x23: {  	_ =	swait.ge [sflag:s17], $0x800  }
0x24: {  	[sflag:s17] =	ssyncset.done $0x0  }
0x25: {  	[sflag:s17] =	ssyncadd.s32 $0xFFFFF800  }
0x26: {  	[spmem:s8] =	stream.linear.scatter [tilespmem:s16], [sflag:$0x1], $0x800, $0x38;
	[tilespmem:$0x3880] =	vst v63  }
0x27: {  	_ =	swait.ge [sflag:s17], $0x800  }
0x28: {  	[sflag:s17] =	ssyncset.done $0x0  }
0x29: {  	[sflag:s17] =	ssyncadd.s32 $0xFFFFF800  }
0x2a: {  	[spmem:s9] =	stream.linear.scatter [tilespmem:s16], [sflag:$0x1], $0x800, $0x38;
	[tilespmem:$0x3880] =	vst v63  }
0x2b: {  	_ =	swait.ge [sflag:s17], $0x800  }
0x2c: {  	[sflag:s17] =	ssyncset.done $0x0  }
0x2d: {  	[sflag:s17] =	ssyncadd.s32 $0xFFFFF800  }
0x2e: {  	[spmem:s10] =	stream.linear.scatter [tilespmem:s16], [sflag:$0x1], $0x800, $0x38;
	[tilespmem:$0x3880] =	vst v63  }
0x2f: {  	_ =	swait.ge [sflag:s17], $0x800  }
0x30: {  	[sflag:s17] =	ssyncset.done $0x0  }
0x31: {  	[sflag:s17] =	ssyncadd.s32 $0xFFFFF800  }
0x32: {  	s25 =	sadd.s32 $0x0, s15;
	[bflag:$0x0] =	sbarrier.arrive $0xFFFF  }
0x33: {  	[tilespmem:s3], [sflag:$0x1] =	stream.linear.gather [hbm4b:s25+s3], $0x80, $0x38;
	[tilespmem:$0x3880] =	vst v63  }
0x34: {  	_ =	swait.ge [sflag:s17], $0x80  }
0x35: {  	[sflag:s17] =	ssyncset.done $0x0  }
0x36: {  	[sflag:s17] =	ssyncadd.s32 $0xFFFFFF80  }
0x37: {  	[spmem:s2] =	stream.indirect.scatter.add.f32 [tilespmem:s18], [sflag:$0x1], $0x10, s3, s18, $0xb8;
	[tilespmem:$0x3880] =	vst v63  }
0x38: {  	_ =	swait.ge [sflag:s17], $0x800  }
0x39: {  	s26 =	simm.s32 $0x20;
	s25 =	simm.s32 $0x10;
	[sflag:s17] =	ssyncset.done $0x0  }
.LBB2_4:
0x3a: {  	s28 =	sadd.s32 s25, s15  }
0x3b: {  	[sflag:s17] =	ssyncadd.s32 $0xFFFFF800;
	s25 =	smov.u32 s26;
	s29 =	sadd.s32 $0x10, s26  }
0x3c: {  	[tilespmem:s3], [sflag:$0x1] =	stream.linear.gather [hbm4b:s28+s3], $0x80, $0x38;
	[tilespmem:$0x3880] =	vst v63  }
0x3d: {  	p0 =	sne.s32 s26, $0x4E0;
	_ =	swait.ge [sflag:s17], $0x80  }
.Ltmp1:
0x3e: {  	[sflag:s17] =	ssyncset.done $0x0;
	(pc) =	sbr.rel @p0 .LBB2_4-.Ltmp1, $4  }
0x3f: {  	[sflag:s17] =	ssyncadd.s32 $0xFFFFFF80  }
0x40: {  	[spmem:s2] =	stream.indirect.scatter.add.f32 [tilespmem:s18], [sflag:$0x1], $0x10, s3, s18, $0xb8;
	[tilespmem:$0x3880] =	vst v63  }
0x41: {  	_ =	swait.ge [sflag:s17], $0x800  }
0x42: {  	s26 =	smov.u32 s29;
	[sflag:s17] =	ssyncset.done $0x0  }
0x43: {  	s25 =	sadd.s32 s25, s15;
	[sflag:s17] =	ssyncadd.s32 $0xFFFFF800  }
0x44: {  	[tilespmem:s3], [sflag:$0x1] =	stream.linear.gather [hbm4b:s25+s3], $0x80, $0x38;
	[tilespmem:$0x3880] =	vst v63  }
0x45: {  	_ =	swait.ge [sflag:s17], $0x80  }
0x46: {  	[sflag:s17] =	ssyncset.done $0x0  }
0x47: {  	[sflag:s17] =	ssyncadd.s32 $0xFFFFFF80  }
0x48: {  	[spmem:s2] =	stream.indirect.scatter.add.f32 [tilespmem:s18], [sflag:$0x1], $0x10, s3, s18, $0xb8;
	[tilespmem:$0x3880] =	vst v63  }
0x49: {  	_ =	swait.ge [sflag:s17], $0x800  }
0x4a: {  	[sflag:s17] =	ssyncset.done $0x0  }
0x4b: {  	s31 =	sshll.u32 s0, $0x6;
	[sflag:s17] =	ssyncadd.s32 $0xFFFFF800  }
0x4c: {  	s25 =	sor.u32 $0x1C01, s31;
	[bflag:$0x0] =	sbarrier.arrive $0xFFFF  }
0x4d: {  	[hbm:s5], [sflag:s25] =	dma.local [spmem:s19], $0x100  }
0x4e: {  	_ =	swait.ge [sflag:s17], $0x100  }
0x4f: {  	[sflag:s17] =	ssyncset.done $0x0  }
0x50: {  	[sflag:s17] =	ssyncadd.s32 $0xFFFFFF00  }
0x51: {  	[hbm:s11], [sflag:s25] =	dma.local [spmem:s20], $0x100  }
0x52: {  	_ =	swait.ge [sflag:s17], $0x100  }
0x53: {  	[sflag:s17] =	ssyncset.done $0x0  }
0x54: {  	[sflag:s17] =	ssyncadd.s32 $0xFFFFFF00  }
0x55: {  	[hbm:s12], [sflag:s25] =	dma.local [spmem:s21], $0x100  }
0x56: {  	_ =	swait.ge [sflag:s17], $0x100  }
0x57: {  	[sflag:s17] =	ssyncset.done $0x0  }
0x58: {  	[sflag:s17] =	ssyncadd.s32 $0xFFFFFF00  }
0x59: {  	[hbm:s13], [sflag:s25] =	dma.local [spmem:s22], $0x100  }
0x5a: {  	s24 =	sadd.s32 $0x1, s24;
	_ =	swait.ge [sflag:s17], $0x100  }
0x5b: {  	p0 =	sne.s32 s24, s6;
	[sflag:s17] =	ssyncset.done $0x0  }
.Ltmp2:
0x5c: {  	[sflag:s17] =	ssyncadd.s32 $0xFFFFFF00;
	(pc) =	sbr.rel @p0 .LBB2_1-.Ltmp2, $4  }
0x5d: {  	[hbm:s14], [sflag:s25] =	dma.local [spmem:s23], $0x100  }
0x5e: {  	_ =	swait.ge [sflag:s17], $0x100  }
0x5f: {  	[sflag:s17] =	ssyncset.done $0x0  }
0x60: {  	[sflag:s17] =	ssyncadd.s32 $0xFFFFFF00  }
0x61: {  	_ =	sfence.sel $0x180000  }
0x62: {  	[bflag:$0x0] =	sbarrier.arrive $0xFFFF  }
0x63: {  	p0 =	sne.s32 s0, $0x0;
	_ =	strace $0x90000047  }
0x64: {  	s0 =	sadd.s32 @!p0 $0x100000, s1;
	[bflag:$0x2] =	sbarrier.arrive $0xFFFF  }
0x65: {  	[sflag:s0] =	ssyncadd.tile.s32 @!p0 $0x1;
	_ =	shalt  }
.Lfunc_end2:
_tile_overlayer_lowered:
.L_overlay_start_2:
0x66: {  	(tag) =	ssettag $0x2  }
0x67: {  	s0 =	rddreg [dreg:$0x0];
	s2 =	stileid.u32  }
0x68: {  	s1 =	rddreg [dreg:$0x1];
	p0 =	sne.s32 s2, $0x0  }
0x69: {  	s3 =	rddreg [dreg:$0x2];
	[bflag:$0x3] =	sbarrier.arrive $0xFFFF;
	s2 =	simm.s32 @!p0 $0x1C01  }
0x6a: {  	[timem:s3], [sflag:s2] =	dma.local @!p0 [hbm:s0], s1  }
0x6b: {  	s0 =	simm.s32 @!p0 $0x1  }
0x6c: {  	_ =	swait.ge @!p0 [sflag:s0], s1  }
0x6d: {  	s1 =	ssub.s32 @!p0 $0x0, s1;
	[sflag:s0] =	ssyncset.done @!p0 $0x0  }
0x6e: {  	[sflag:s0] =	ssyncadd.s32 @!p0 s1  }
0x6f: {  	[bflag:$0x3] =	sbarrier.arrive $0xFFFF  }
0x70: {  	_ =	shalt  }

// kernel: kernel.13.cloned.1.call-start
scs
__scs_entry_jumppad:
0x0: {  	(pc) =	sbr.rel $0x88, $3  }
0x1: {  	(tag) =	ssettag $0x0;
	lr =	simm.s32 $0x1  }
0x2: {  	[smem:$0x3F94] =	sst lr;
	_ =	strace $0xD0000000  }
0x3: {  	_ = 	snop  }
0x4: {  	_ = 	snop  }
0x5: {  	_ = 	snop  }
0x6: {  	_ = 	snop  }
0x7: {  	_ = 	snop  }
__scs_overlays_trampoline_lowered:
0x8: {  	[smem:$0x3FA3] =	sst s0  }
0x9: {  	[smem:$0x3FA4] =	sst s1  }
0xa: {  	[smem:$0x3FA5] =	sst s2  }
0xb: {  	[smem:$0x3FA6] =	sst s3  }
0xc: {  	[smem:$0x3FA7] =	sst s4  }
0xd: {  	[smem:$0x3FA8] =	sst s5  }
0xe: {  	[smem:$0x3FA9] =	sst s6  }
0xf: {  	[smem:$0x3FAA] =	sst s7  }
0x10: {  	[smem:$0x3FAB] =	sst s8  }
0x11: {  	[smem:$0x3FAC] =	sst s9;
	s0 =	simm.s32 @!p0 $0x0  }
0x12: {  	s1 =	sld [smem:$0x3F92];
	s0 =	simm.s32 @p0 $0x1  }
0x13: {  	[smem:$0x3FAD] =	sst s0;
	s0 =	simm.s32 @!p1 $0x0  }
0x14: {  	s2 =	sld [smem:$0x3F91];
	s0 =	simm.s32 @p1 $0x1  }
0x15: {  	[smem:$0x3FAE] =	sst s0;
	s0 =	simm.s32 @!p2 $0x0  }
0x16: {  	s3 =	sld [smem:$0x3FDB];
	s0 =	simm.s32 @p2 $0x1  }
0x17: {  	s4 =	simm.s32 $0x1BF5;
	[smem:$0x3FB0] =	sst s0  }
0x18: {  	s0 =	sld [smem:$0x3F93];
	_ =	swait.ge [sflag:s4], $0x0  }
0x19: {  	s7 =	sld [smem:$0x3F94]  }
0x1a: {  	s8 =	sadd.s32 $0xFFFFE003, lr  }
0x1b: {  	s9 =	sadd.s32 $0xFFFFFEF7, lr;
	s5 =	simm.s32 $0xFFFFFFFF;
	p2 =	slt.u32 s8, $0xFFFFF086  }
0x1c: {  	p1 =	slt.u32 s9, $0xF7A;
	s5 =	simm.s32 @!p2 $0x0  }
0x1d: {  	s5 =	simm.s32 @p1 $0x1;
	p0 =	seq.s32 s7, s2  }
0x1e: {  	s7 =	smul.u32 @!p0 $0xF7A, s2;
	p2 =	seq.s32 @!p0 s5, $0x0  }
0x1f: {  	s9 =	smul.u32 $0xF7A, s1;
	s8 =	simm.s32 @!p0 $0x1BF5;
	p2 =	por !p2, p0  }
0x20: {  	[sflag:s8] =	ssyncset.s32 @!p0 $0xFFFFF086;
	s6 =	sadd.s32 @!p0 s3, s7;
	s7 =	simm.s32 @!p0 $0x108  }
0x21: {  	s3 =	sadd.s32 s3, s9;
	s6 =	sadd.s32 @!p0 $0x88, s6;
	s7 =	simm.s32 @p2 $0x1082  }
0x22: {  	[simem:s7], [sflag:s8] =	dma.local @!p0 [hbm:s6], $0xF7A  }
0x23: {  	s9 =	sor.u32 $0xD0000000, s2;
	s6 =	simm.s32 $0x108;
	_ =	swait.ge @!p0 [sflag:s8], $0x0  }
0x24: {  	s3 =	sadd.s32 $0x88, s3;
	s6 =	simm.s32 @!p1 $0x1082;
	[sflag:s4] =	ssyncset.s32 $0xFFFFF086  }
0x25: {  	[simem:s6], [sflag:s4] =	dma.local [hbm:s3], $0xF7A  }
0x26: {  	[smem:$0x3F94] =	sst s1;
	(tag) =	ssettag s2;
	_ =	strace s9  }
0x27: {  	s1 =	sld [smem:$0x3FA4]  }
0x28: {  	s2 =	sld [smem:$0x3FA5]  }
0x29: {  	s4 =	sld [smem:$0x3FA7]  }
0x2a: {  	p0 =	seq.s32 s5, $0x0;
	s5 =	sld [smem:$0x3FA8]  }
0x2b: {  	s6 =	sld [smem:$0x3FA9]  }
0x2c: {  	s7 =	sld [smem:$0x3FAA]  }
0x2d: {  	s3 =	simm.s32 $0x108;
	s8 =	sld [smem:$0x3FAB]  }
0x2e: {  	s3 =	simm.s32 @!p0 $0x1082;
	s9 =	sld [smem:$0x3FAC]  }
0x2f: {  	lr =	sadd.s32 s0, s3;
	s0 =	sld [smem:$0x3FA3]  }
0x30: {  	s3 =	sld [smem:$0x3FA6]  }
0x31: {  	[smem:$0x3FAF] =	sst s10  }
0x32: {  	s10 =	sld [smem:$0x3FAD];
	_ =	sdelay $0x3  }
0x33: {  	p0 =	seq.s32 s10, $0x1;
	s10 =	sld [smem:$0x3FAF];
	_ =	sdelay $0x3  }
0x34: {  	[smem:$0x3FAF] =	sst s10  }
0x35: {  	s10 =	sld [smem:$0x3FAE];
	_ =	sdelay $0x3  }
0x36: {  	p1 =	seq.s32 s10, $0x1;
	s10 =	sld [smem:$0x3FAF];
	_ =	sdelay $0x3  }
0x37: {  	[smem:$0x3FAF] =	sst s10  }
0x38: {  	s10 =	sld [smem:$0x3FB0]  }
0x39: {  	_ = 	snop;
	(pc) =	sbr.ind lr, $3  }
0x3a: {  	_ = 	snop  }
0x3b: {  	_ = 	snop  }
0x3c: {  	p2 =	seq.s32 s10, $0x1;
	s10 =	sld [smem:$0x3FAF]  }
0x3d: {  	_ =	shalt  }
0x3e: {  	_ =	shalt  }
0x3f: {  	_ =	shalt  }
0x40: {  	_ =	shalt  }
0x41: {  	_ =	shalt  }
0x42: {  	_ =	shalt  }
0x43: {  	_ =	shalt  }
0x44: {  	_ =	shalt  }
0x45: {  	_ =	shalt  }
0x46: {  	_ =	shalt  }
0x47: {  	_ =	shalt  }
0x48: {  	_ =	shalt  }
0x49: {  	_ =	shalt  }
0x4a: {  	_ =	shalt  }
0x4b: {  	_ =	shalt  }
0x4c: {  	_ =	shalt  }
0x4d: {  	_ =	shalt  }
0x4e: {  	_ =	shalt  }
0x4f: {  	_ =	shalt  }
0x50: {  	_ =	shalt  }
0x51: {  	_ =	shalt  }
0x52: {  	_ =	shalt  }
0x53: {  	_ =	shalt  }
0x54: {  	_ =	shalt  }
0x55: {  	_ =	shalt  }
0x56: {  	_ =	shalt  }
0x57: {  	_ =	shalt  }
0x58: {  	_ =	shalt  }
0x59: {  	_ =	shalt  }
0x5a: {  	_ =	shalt  }
0x5b: {  	_ =	shalt  }
0x5c: {  	_ =	shalt  }
0x5d: {  	_ =	shalt  }
0x5e: {  	_ =	shalt  }
0x5f: {  	_ =	shalt  }
0x60: {  	_ =	shalt  }
0x61: {  	_ =	shalt  }
0x62: {  	_ =	shalt  }
0x63: {  	_ =	shalt  }
0x64: {  	_ =	shalt  }
0x65: {  	_ =	shalt  }
0x66: {  	_ =	shalt  }
0x67: {  	_ =	shalt  }
0x68: {  	_ =	shalt  }
0x69: {  	_ =	shalt  }
0x6a: {  	_ =	shalt  }
0x6b: {  	_ =	shalt  }
0x6c: {  	_ =	shalt  }
0x6d: {  	_ =	shalt  }
0x6e: {  	_ =	shalt  }
0x6f: {  	_ =	shalt  }
0x70: {  	_ =	shalt  }
0x71: {  	_ =	shalt  }
0x72: {  	_ =	shalt  }
0x73: {  	_ =	shalt  }
0x74: {  	_ =	shalt  }
0x75: {  	_ =	shalt  }
0x76: {  	_ =	shalt  }
0x77: {  	_ =	shalt  }
0x78: {  	_ =	shalt  }
0x79: {  	_ =	shalt  }
0x7a: {  	_ =	shalt  }
0x7b: {  	_ =	shalt  }
0x7c: {  	_ =	shalt  }
0x7d: {  	_ =	shalt  }
0x7e: {  	_ =	shalt  }
0x7f: {  	_ =	shalt  }
0x80: {  	_ =	shalt  }
0x81: {  	_ =	shalt  }
0x82: {  	_ =	shalt  }
0x83: {  	_ =	shalt  }
0x84: {  	_ =	shalt  }
0x85: {  	_ =	shalt  }
0x86: {  	_ =	shalt  }
0x87: {  	_ =	shalt  }
.Lfunc_end0:
.L_simem_size_0:
called_computation.1_lowered:
.L_overlay_start_0:
0x88: {  	s2 =	sld [smem:$0x3FD9]  }
0x89: {  	s3 =	sld [smem:$0x3FFE];
	_ =	sdelay $0x1  }
0x8a: {  	s1 =	srdreg.scid  }
0x8b: {  	s0 =	sand.u32 $0x1, s1  }
0x8c: {  	s16 =	sshll.u32 s0, $0xA;
	s2 =	sadd.s32 s3, s2  }
0x8d: {  	s2 =	sadd.s32 s2, s16  }
0x8e: {  	[smem:$0x3FBB] =	sst s2  }
0x8f: {  	_ = 	snop  }
0x90: {  	(tm) =	ssettm $0x1  }
0x91: {  	s17 =	sld [smem:$0x3FFB];
	_ =	sdelay $0x3  }
0x92: {  	_ =	strace s17  }
0x93: {  	s2 =	sld [smem:$0x3FFC];
	_ =	sdelay $0x3  }
0x94: {  	_ =	strace s2  }
0x95: {  	s2 =	sld [smem:$0x3FFD];
	_ =	sdelay $0x3  }
0x96: {  	_ =	strace s2  }
0x97: {  	_ =	strace $0x8FFFFFFF  }
0x98: {  	s18 =	sld [smem:$0x3FDB];
	_ =	sdelay $0x1  }
0x99: {  	s19 =	simm.s32 $_scs_section_size  }
0x9a: {  	s4 =	simm.s32 $_size__tile_overlayer_lowered;
	s5 =	simm.s32 $_tile_overlayer_lowered  }
0x9b: {  	s22 =	simm.s32 $0x1BFF;
	s21 =	sshll.u32 s5, $0x1;
	s2 =	sadd.s32 s19, s18  }
0x9c: {  	s6 =	simm.s32 $0x0;
	s20 =	sshll.u32 s4, $0x1;
	s4 =	sadd.s32 s21, s2  }
0x9d: {  	[timem:s6], [sflag:s22] =	dma.local [hbm:s4], s20  }
0x9e: {  	_ =	swait.ge [sflag:s22], s20  }
0x9f: {  	s3 =	ssub.s32 $0x0, s20;
	[sflag:s22] =	ssyncset.done $0x0  }
0xa0: {  	[sflag:s22] =	ssyncadd.s32 s3;
	_ =	sdelay $0x1  }
0xa1: {  	s23 =	simm.s32 $0x1B8B  }
0xa2: {  	_ =	swait.ge [sflag:s23], $0x1  }
0xa3: {  	[sflag:s23] =	ssyncset.done $0x0  }
0xa4: {  	s25 =	simm.s32 $0x1B8E;
	s24 =	sld [smem:$0x3FFE];
	[sflag:s23] =	ssyncadd.s32 $0xFFFFFFFF  }
0xa5: {  	s26 =	simm.s32 $execute0_lowered;
	[smem:$0x3FD2] =	sst s25  }
0xa6: {  	s4 =	sshll.u32 s26, $0x1;
	_ =	strace $0x80000049;
	[dreg:$0x1] =	wrdreg $0xFFFFFFFF  }
0xa7: {  	s28 =	simm.s32 $_size_execute0_lowered;
	s2 =	sadd.s32 s2, s4;
	[dreg:$0x0] =	wrdreg $0x0  }
0xa8: {  	s4 =	sshll.u32 s28, $0x1;
	[dreg:$0x2] =	wrdreg s2  }
0xa9: {  	[dreg:$0x3] =	wrdreg s4  }
0xaa: {  	[dreg:$0x4] =	wrdreg $0xC0  }
0xab: {  	_ =	task [dreg:s6], $0x5FFFF  }
0xac: {  	[dreg:$0x1] =	wrdreg $0xFFFFFFFF  }
0xad: {  	[dreg:$0x0] =	wrdreg $0x60  }
0xae: {  	[dreg:$0x2] =	wrdreg s24  }
0xaf: {  	[dreg:$0x3] =	wrdreg $0x41000  }
0xb0: {  	[dreg:$0x4] =	wrdreg $0x9  }
0xb1: {  	_ =	task.clear_ibuf [dreg:s6], $0x5FFFF;
	_ =	strace $0x90000049  }
0xb2: {  	s29 =	simm.s32 $0x9;
	_ =	strace $0x8000004B  }
0xb3: {  	_ =	swait.ge [sflag:s29], $0x1  }
0xb4: {  	[sflag:s29] =	ssyncadd.s32 $0xFFFFFFFF  }
0xb5: {  	_ =	strace $0x9000004B  }
0xb6: {  	_ =	sfence  }
0xb7: {  	s30 =	sld [smem:$0x0];
	_ =	sdelay $0x2  }
0xb8: {  	s31 =	sshll.u32 s1, $0xD;
	s1 =	sshrl.u32 s1, $0x2  }
0xb9: {  	s3 =	sand.u32 $0x4000, s31;
	s1 =	sadd.s32 s1, s30  }
0xba: {  	s0 =	sor.u32 s3, s0;
	s1 =	sshll.u32 s1, $0x11  }
0xbb: {  	s0 =	sor.u32 s1, s0  }
0xbc: {  	s0 =	sadd.s32 $0x8F2B, s0  }
0xbd: {  	[sflag:s0] =	ssyncadd.remote.s32 $0x1  }
0xbe: {  	_ =	sfence.sel $0xFFFF  }
0xbf: {  	[dreg:$0x0] =	wrdreg $0xFFFFFFFF;
	(pc) =	sbr.abs _section_cstart, $3  }
0xc0: {  	[dreg:$0x1] =	wrdreg $0xFFFFFFFF  }
0xc1: {  	_ =	task.clear_ibuf [dreg:s6], $0x2FFFF;
	_ =	strace $0x9FFFFFFF  }
0xc2: {  	(tm) =	ssettm $0x7FFFFFFF  }
0xc3: {  	_ =	shalt  }
tec
execute0_lowered:
.L_overlay_start_1:
0x0: {  	(tag) =	ssettag $0x1  }
0x1: {  	s0 =	srdreg.scid  }
0x2: {  	s5 =	rddreg [dreg:$0x0];
	s19 =	stileid.u32  }
0x3: {  	s2 =	rddreg [dreg:$0x1];
	s3 =	simm.s32 $0x0;
	s7 =	smul.u32 $0x2780, s19  }
0x4: {  	s28 =	simm.s32 $0x1;
	s29 =	simm.s32 $0x0;
	s15 =	smul.u32 $0xA000, s19  }
0x5: {  	s6 =	sand.u32 $0x1, s0;
	[smem:$0x7FF] =	sst s3;
	s20 =	smul.u32 $0x28000, s19  }
0x6: {  	s16 =	sadd.s32 $0x34000, s5;
	s4 =	smul.u32 $0x27800, s6;
	s21 =	ssub.s32 $0x2, s6  }
0x7: {  	s14 =	smul.u32 $0xA0000, s6;
	_ =	strace $0x8000004A;
	s8 =	sshrl.u32 s21, $0x1  }
0x8: {  	s13 =	sadd.s32 $0x2000, s15;
	s18 =	sadd.s32 $0x4000, s15;
	s25 =	sadd.s32 $0x6000, s15  }
0x9: {  	s4 =	sadd.s32 s7, s4;
	s22 =	sadd.s32 s14, s15;
	s8 =	ssub.s32 s21, s8  }
0xa: {  	s12 =	sadd.s32 s14, s13;
	s21 =	sadd.s32 s15, s2;
	s19 =	sadd.s32 s14, s18  }
0xb: {  	s7 =	sshrl.u32 s4, $0x3;
	s4 =	sadd.s32 $0x20600, s5;
	s6 =	sshrl.u32 s22, $0x3  }
0xc: {  	s12 =	sshrl.u32 s12, $0x3;
	s22 =	sadd.s32 s13, s2;
	s24 =	sshrl.u32 s19, $0x3  }
0xd: {  	s19 =	simm.s32 $0x2;
	s21 =	sshrl.u32 s21, $0x3;
	s17 =	sadd.s32 s7, s5  }
0xe: {  	s7 =	sshrl.u32 s20, $0x2;
	s23 =	sadd.s32 s16, s6;
	s12 =	sadd.s32 s16, s12  }
0xf: {  	s13 =	sadd.s32 s16, s24;
	s20 =	sadd.s32 s14, s25;
	s24 =	sadd.s32 s18, s2  }
0x10: {  	s25 =	sadd.s32 s25, s2;
	s18 =	simm.s32 $0x2100;
	s22 =	sshrl.u32 s22, $0x3  }
0x11: {  	s5 =	sadd.s32 s7, s2;
	[dreg:$0x3] =	wrdreg s23;
	s7 =	smax.u32 s8, $0x1  }
0x12: {  	s23 =	sadd.s32 $0x8000, s15;
	s26 =	sshrl.u32 s20, $0x3;
	s20 =	simm.s32 $0x80  }
0x13: {  	s8 =	sadd.s32 $0x2000, s5;
	s9 =	sadd.s32 $0x4000, s5;
	s10 =	sadd.s32 $0x6000, s5  }
0x14: {  	s11 =	sadd.s32 $0x8000, s5;
	s30 =	sadd.s32 s14, s23;
	s14 =	sadd.s32 s16, s26  }
0x15: {  	s26 =	sadd.s32 s23, s2;
	s23 =	sshrl.u32 s24, $0x3;
	s24 =	sshrl.u32 s25, $0x3  }
0x16: {  	s31 =	sshrl.u32 s30, $0x3;
	s25 =	sshrl.u32 s26, $0x3;
	s26 =	simm.s32 $0x100  }
0x17: {  	v0 =	vimm.f32 $0.0e+00;
	s15 =	sadd.s32 s16, s31;
	s16 =	sadd.s32 $0x2A00, s17;
	s17 =	sadd.s32 $0x16800, s17  }
.LBB2_1:
0x18: {  	s31 =	simm.s32 $0x100;
	s30 =	simm.s32 $0x0  }
.LBB2_2:
0x19: {  	p0 =	sne.s32 s31, $0x7F00;
	[tilespmem:s30+$0x2130] =	vst v0;
	s1 =	smov.u32 s31;
	s31 =	sadd.s32 $0x100, s31  }
.Ltmp0:
0x1a: {  	[tilespmem:s30+$0x2120] =	vst v0;
	(pc) =	sbr.rel @p0 .LBB2_2-.Ltmp0, $3  }
0x1b: {  	[tilespmem:s30+$0x2100] =	vst v0  }
0x1c: {  	[tilespmem:s30+$0x2110] =	vst v0;
	_ =	sdelay $0x1  }
0x1d: {  	s30 =	sshra.s32 s1, $0x2  }
0x1e: {  	[tilespmem:s30+$0x2130] =	vst v0  }
0x1f: {  	[tilespmem:s30+$0x2120] =	vst v0  }
0x20: {  	[tilespmem:s30+$0x2100] =	vst v0  }
0x21: {  	[tilespmem:s30+$0x2110] =	vst v0  }
0x22: {  	[spmem:s5] =	stream.linear.scatter [tilespmem:s18], [sflag:$0x2], $0x2000, $0x38;
	[tilespmem:$0xE100] =	vst v63  }
0x23: {  	_ =	swait.ge [sflag:s19], $0x2000  }
0x24: {  	[sflag:s19] =	ssyncset.done $0x0  }
0x25: {  	[sflag:s19] =	ssyncadd.s32 $0xFFFFE000  }
0x26: {  	[spmem:s8] =	stream.linear.scatter [tilespmem:s18], [sflag:$0x2], $0x2000, $0x38;
	[tilespmem:$0xE100] =	vst v63  }
0x27: {  	_ =	swait.ge [sflag:s19], $0x2000  }
0x28: {  	[sflag:s19] =	ssyncset.done $0x0  }
0x29: {  	[sflag:s19] =	ssyncadd.s32 $0xFFFFE000  }
0x2a: {  	[spmem:s9] =	stream.linear.scatter [tilespmem:s18], [sflag:$0x2], $0x2000, $0x38;
	[tilespmem:$0xE100] =	vst v63  }
0x2b: {  	_ =	swait.ge [sflag:s19], $0x2000  }
0x2c: {  	[sflag:s19] =	ssyncset.done $0x0  }
0x2d: {  	[sflag:s19] =	ssyncadd.s32 $0xFFFFE000  }
0x2e: {  	[spmem:s10] =	stream.linear.scatter [tilespmem:s18], [sflag:$0x2], $0x2000, $0x38;
	[tilespmem:$0xE100] =	vst v63  }
0x2f: {  	_ =	swait.ge [sflag:s19], $0x2000  }
0x30: {  	[sflag:s19] =	ssyncset.done $0x0  }
0x31: {  	[sflag:s19] =	ssyncadd.s32 $0xFFFFE000  }
0x32: {  	[spmem:s11] =	stream.linear.scatter [tilespmem:s18], [sflag:$0x2], $0x2000, $0x38;
	[tilespmem:$0xE100] =	vst v63  }
0x33: {  	_ =	swait.ge [sflag:s19], $0x2000  }
0x34: {  	[sflag:s19] =	ssyncset.done $0x0  }
0x35: {  	[sflag:s19] =	ssyncadd.s32 $0xFFFFE000  }
0x36: {  	s1 =	sadd.s32 $0x0, s17;
	[bflag:$0x0] =	sbarrier.arrive $0xFFFF  }
0x37: {  	[tilespmem:s3], [sflag:$0x2] =	stream.linear.gather [hbm4b:s1+s3], $0x80, $0x38;
	[tilespmem:$0xE100] =	vst v63  }
0x38: {  	_ =	swait.ge [sflag:s19], $0x80  }
0x39: {  	[sflag:s19] =	ssyncset.done $0x0  }
0x3a: {  	s6 =	sadd.s32 $0x0, s16;
	[sflag:s19] =	ssyncadd.s32 $0xFFFFFF80  }
0x3b: {  	[tilespmem:s20], [sflag:$0x2] =	stream.linear.gather [hbm4b:s6+s3], $0x80, $0x38;
	[tilespmem:$0xE100] =	vst v63  }
0x3c: {  	_ =	swait.ge [sflag:s19], $0x80  }
0x3d: {  	[sflag:s19] =	ssyncset.done $0x0  }
0x3e: {  	[sflag:s19] =	ssyncadd.s32 $0xFFFFFF80  }
0x3f: {  	[tilespmem:s26], [sflag:$0x1] =	stream.indirect.gather [hbm4b:s4+s20], $0x40, s3, s20, $0xb8;
	[tilespmem:$0xE100] =	vst v63  }
0x40: {  	_ =	swait.ge [sflag:s28], $0x2000  }
0x41: {  	[sflag:s28] =	ssyncset.done $0x0  }
0x42: {  	[sflag:s28] =	ssyncadd.s32 $0xFFFFE000  }
0x43: {  	[spmem:s2] =	stream.indirect.scatter.add.f32 [tilespmem:s26], [sflag:$0x2], $0x40, s20, s20, $0xb8;
	[tilespmem:$0xE100] =	vst v63  }
0x44: {  	_ =	swait.ge [sflag:s19], $0x2000  }
0x45: {  	s30 =	simm.s32 $0x10;
	s31 =	simm.s32 $0x20;
	[sflag:s19] =	ssyncset.done $0x0  }
.LBB2_4:
0x46: {  	s1 =	sadd.s32 s30, s17  }
0x47: {  	[sflag:s19] =	ssyncadd.s32 $0xFFFFE000;
	s0 =	smov.u32 s31;
	s6 =	sadd.s32 $0x10, s31  }
0x48: {  	[tilespmem:s3], [sflag:$0x2] =	stream.linear.gather [hbm4b:s1+s3], $0x80, $0x38;
	[tilespmem:$0xE100] =	vst v63  }
0x49: {  	p0 =	sne.s32 s31, $0x4E0;
	_ =	swait.ge [sflag:s19], $0x80  }
0x4a: {  	[sflag:s19] =	ssyncset.done $0x0  }
0x4b: {  	s1 =	sadd.s32 s30, s16;
	s30 =	smov.u32 s0;
	[sflag:s19] =	ssyncadd.s32 $0xFFFFFF80  }
0x4c: {  	[tilespmem:s20], [sflag:$0x2] =	stream.linear.gather [hbm4b:s1+s3], $0x80, $0x38;
	[tilespmem:$0xE100] =	vst v63  }
0x4d: {  	_ =	swait.ge [sflag:s19], $0x80  }
0x4e: {  	[sflag:s19] =	ssyncset.done $0x0  }
0x4f: {  	[sflag:s19] =	ssyncadd.s32 $0xFFFFFF80  }
0x50: {  	[tilespmem:s26], [sflag:$0x1] =	stream.indirect.gather [hbm4b:s4+s20], $0x40, s3, s20, $0xb8;
	[tilespmem:$0xE100] =	vst v63  }
0x51: {  	_ =	swait.ge [sflag:s28], $0x2000  }
.Ltmp1:
0x52: {  	[sflag:s28] =	ssyncset.done $0x0;
	(pc) =	sbr.rel @p0 .LBB2_4-.Ltmp1, $4  }
0x53: {  	[sflag:s28] =	ssyncadd.s32 $0xFFFFE000  }
0x54: {  	[spmem:s2] =	stream.indirect.scatter.add.f32 [tilespmem:s26], [sflag:$0x2], $0x40, s20, s20, $0xb8;
	[tilespmem:$0xE100] =	vst v63  }
0x55: {  	_ =	swait.ge [sflag:s19], $0x2000  }
0x56: {  	s31 =	smov.u32 s6;
	[sflag:s19] =	ssyncset.done $0x0  }
0x57: {  	s0 =	sadd.s32 s30, s17;
	[sflag:s19] =	ssyncadd.s32 $0xFFFFE000  }
0x58: {  	[tilespmem:s3], [sflag:$0x2] =	stream.linear.gather [hbm4b:s0+s3], $0x80, $0x38;
	[tilespmem:$0xE100] =	vst v63  }
0x59: {  	_ =	swait.ge [sflag:s19], $0x80  }
0x5a: {  	[sflag:s19] =	ssyncset.done $0x0  }
0x5b: {  	s30 =	sadd.s32 s30, s16;
	[sflag:s19] =	ssyncadd.s32 $0xFFFFFF80  }
0x5c: {  	[tilespmem:s20], [sflag:$0x2] =	stream.linear.gather [hbm4b:s30+s3], $0x80, $0x38;
	[tilespmem:$0xE100] =	vst v63  }
0x5d: {  	_ =	swait.ge [sflag:s19], $0x80  }
0x5e: {  	[sflag:s19] =	ssyncset.done $0x0  }
0x5f: {  	[sflag:s19] =	ssyncadd.s32 $0xFFFFFF80  }
0x60: {  	[tilespmem:s26], [sflag:$0x1] =	stream.indirect.gather [hbm4b:s4+s20], $0x40, s3, s20, $0xb8;
	[tilespmem:$0xE100] =	vst v63  }
0x61: {  	_ =	swait.ge [sflag:s28], $0x2000  }
0x62: {  	[sflag:s28] =	ssyncset.done $0x0  }
0x63: {  	[sflag:s28] =	ssyncadd.s32 $0xFFFFE000  }
0x64: {  	[spmem:s2] =	stream.indirect.scatter.add.f32 [tilespmem:s26], [sflag:$0x2], $0x40, s20, s20, $0xb8;
	[tilespmem:$0xE100] =	vst v63  }
0x65: {  	_ =	swait.ge [sflag:s19], $0x2000  }
0x66: {  	[sflag:s19] =	ssyncset.done $0x0  }
0x67: {  	s31 =	stileid.u32;
	[sflag:s19] =	ssyncadd.s32 $0xFFFFE000  }
0x68: {  	s0 =	sshll.u32 s31, $0x6;
	[bflag:$0x0] =	sbarrier.arrive $0xFFFF  }
0x69: {  	s0 =	sor.u32 $0x1C02, s0;
	s1 =	rddreg [dreg:$0x3]  }
0x6a: {  	[hbm:s1], [sflag:s0] =	dma.local [spmem:s21], $0x400  }
0x6b: {  	_ =	swait.ge [sflag:s19], $0x400  }
0x6c: {  	[sflag:s19] =	ssyncset.done $0x0  }
0x6d: {  	[sflag:s19] =	ssyncadd.s32 $0xFFFFFC00  }
0x6e: {  	[hbm:s12], [sflag:s0] =	dma.local [spmem:s22], $0x400  }
0x6f: {  	_ =	swait.ge [sflag:s19], $0x400  }
0x70: {  	[sflag:s19] =	ssyncset.done $0x0  }
0x71: {  	[sflag:s19] =	ssyncadd.s32 $0xFFFFFC00  }
0x72: {  	[hbm:s13], [sflag:s0] =	dma.local [spmem:s23], $0x400  }
0x73: {  	_ =	swait.ge [sflag:s19], $0x400  }
0x74: {  	[sflag:s19] =	ssyncset.done $0x0  }
0x75: {  	[sflag:s19] =	ssyncadd.s32 $0xFFFFFC00  }
0x76: {  	[hbm:s14], [sflag:s0] =	dma.local [spmem:s24], $0x400  }
0x77: {  	s29 =	sadd.s32 $0x1, s29;
	_ =	swait.ge [sflag:s19], $0x400  }
0x78: {  	p0 =	sne.s32 s29, s7;
	[sflag:s19] =	ssyncset.done $0x0  }
.Ltmp2:
0x79: {  	[sflag:s19] =	ssyncadd.s32 $0xFFFFFC00;
	(pc) =	sbr.rel @p0 .LBB2_1-.Ltmp2, $4  }
0x7a: {  	[hbm:s15], [sflag:s0] =	dma.local [spmem:s25], $0x400  }
0x7b: {  	_ =	swait.ge [sflag:s19], $0x400  }
0x7c: {  	[sflag:s19] =	ssyncset.done $0x0  }
0x7d: {  	[sflag:s19] =	ssyncadd.s32 $0xFFFFFC00  }
0x7e: {  	_ =	sfence.sel $0x180000  }
0x7f: {  	[bflag:$0x0] =	sbarrier.arrive $0xFFFF  }
0x80: {  	_ =	strace $0x9000004A  }
0x81: {  	s0 =	stileid.u32;
	[bflag:$0x2] =	sbarrier.arrive $0xFFFF  }
0x82: {  	p0 =	sne.s32 s0, $0x0;
	s0 =	rddreg [dreg:$0x2]  }
0x83: {  	s0 =	sadd.s32 @!p0 $0x100000, s0  }
0x84: {  	[sflag:s0] =	ssyncadd.tile.s32 @!p0 $0x1;
	_ =	shalt  }
.Lfunc_end2:
_tile_overlayer_lowered:
.L_overlay_start_2:
0x85: {  	(tag) =	ssettag $0x2  }
0x86: {  	s0 =	rddreg [dreg:$0x0];
	s2 =	stileid.u32  }
0x87: {  	s1 =	rddreg [dreg:$0x1];
	p0 =	sne.s32 s2, $0x0  }
0x88: {  	s3 =	rddreg [dreg:$0x2];
	[bflag:$0x3] =	sbarrier.arrive $0xFFFF;
	s2 =	simm.s32 @!p0 $0x1C02  }
0x89: {  	[timem:s3], [sflag:s2] =	dma.local @!p0 [hbm:s0], s1  }
0x8a: {  	s0 =	simm.s32 @!p0 $0x2  }
0x8b: {  	_ =	swait.ge @!p0 [sflag:s0], s1  }
0x8c: {  	s1 =	ssub.s32 @!p0 $0x0, s1;
	[sflag:s0] =	ssyncset.done @!p0 $0x0  }
0x8d: {  	[sflag:s0] =	ssyncadd.s32 @!p0 s1  }
0x8e: {  	[bflag:$0x3] =	sbarrier.arrive $0xFFFF  }
0x8f: {  	_ =	shalt  }

// kernel: kernel.16.cloned.1.call-start
scs
__scs_entry_jumppad:
0x0: {  	(pc) =	sbr.rel $0x88, $3  }
0x1: {  	(tag) =	ssettag $0x0;
	lr =	simm.s32 $0x1  }
0x2: {  	[smem:$0x3F94] =	sst lr;
	_ =	strace $0xD0000000  }
0x3: {  	_ = 	snop  }
0x4: {  	_ = 	snop  }
0x5: {  	_ = 	snop  }
0x6: {  	_ = 	snop  }
0x7: {  	_ = 	snop  }
__scs_overlays_trampoline_lowered:
0x8: {  	[smem:$0x3FA3] =	sst s0  }
0x9: {  	[smem:$0x3FA4] =	sst s1  }
0xa: {  	[smem:$0x3FA5] =	sst s2  }
0xb: {  	[smem:$0x3FA6] =	sst s3  }
0xc: {  	[smem:$0x3FA7] =	sst s4  }
0xd: {  	[smem:$0x3FA8] =	sst s5  }
0xe: {  	[smem:$0x3FA9] =	sst s6  }
0xf: {  	[smem:$0x3FAA] =	sst s7  }
0x10: {  	[smem:$0x3FAB] =	sst s8  }
0x11: {  	[smem:$0x3FAC] =	sst s9;
	s0 =	simm.s32 @!p0 $0x0  }
0x12: {  	s1 =	sld [smem:$0x3F92];
	s0 =	simm.s32 @p0 $0x1  }
0x13: {  	[smem:$0x3FAD] =	sst s0;
	s0 =	simm.s32 @!p1 $0x0  }
0x14: {  	s2 =	sld [smem:$0x3F91];
	s0 =	simm.s32 @p1 $0x1  }
0x15: {  	[smem:$0x3FAE] =	sst s0;
	s0 =	simm.s32 @!p2 $0x0  }
0x16: {  	s3 =	sld [smem:$0x3FDB];
	s0 =	simm.s32 @p2 $0x1  }
0x17: {  	s4 =	simm.s32 $0x1BF5;
	[smem:$0x3FB0] =	sst s0  }
0x18: {  	s0 =	sld [smem:$0x3F93];
	_ =	swait.ge [sflag:s4], $0x0  }
0x19: {  	s7 =	sld [smem:$0x3F94]  }
0x1a: {  	s8 =	sadd.s32 $0xFFFFE003, lr  }
0x1b: {  	s9 =	sadd.s32 $0xFFFFFEF7, lr;
	s5 =	simm.s32 $0xFFFFFFFF;
	p2 =	slt.u32 s8, $0xFFFFF086  }
0x1c: {  	p1 =	slt.u32 s9, $0xF7A;
	s5 =	simm.s32 @!p2 $0x0  }
0x1d: {  	s5 =	simm.s32 @p1 $0x1;
	p0 =	seq.s32 s7, s2  }
0x1e: {  	s7 =	smul.u32 @!p0 $0xF7A, s2;
	p2 =	seq.s32 @!p0 s5, $0x0  }
0x1f: {  	s9 =	smul.u32 $0xF7A, s1;
	s8 =	simm.s32 @!p0 $0x1BF5;
	p2 =	por !p2, p0  }
0x20: {  	[sflag:s8] =	ssyncset.s32 @!p0 $0xFFFFF086;
	s6 =	sadd.s32 @!p0 s3, s7;
	s7 =	simm.s32 @!p0 $0x108  }
0x21: {  	s3 =	sadd.s32 s3, s9;
	s6 =	sadd.s32 @!p0 $0x88, s6;
	s7 =	simm.s32 @p2 $0x1082  }
0x22: {  	[simem:s7], [sflag:s8] =	dma.local @!p0 [hbm:s6], $0xF7A  }
0x23: {  	s9 =	sor.u32 $0xD0000000, s2;
	s6 =	simm.s32 $0x108;
	_ =	swait.ge @!p0 [sflag:s8], $0x0  }
0x24: {  	s3 =	sadd.s32 $0x88, s3;
	s6 =	simm.s32 @!p1 $0x1082;
	[sflag:s4] =	ssyncset.s32 $0xFFFFF086  }
0x25: {  	[simem:s6], [sflag:s4] =	dma.local [hbm:s3], $0xF7A  }
0x26: {  	[smem:$0x3F94] =	sst s1;
	(tag) =	ssettag s2;
	_ =	strace s9  }
0x27: {  	s1 =	sld [smem:$0x3FA4]  }
0x28: {  	s2 =	sld [smem:$0x3FA5]  }
0x29: {  	s4 =	sld [smem:$0x3FA7]  }
0x2a: {  	p0 =	seq.s32 s5, $0x0;
	s5 =	sld [smem:$0x3FA8]  }
0x2b: {  	s6 =	sld [smem:$0x3FA9]  }
0x2c: {  	s7 =	sld [smem:$0x3FAA]  }
0x2d: {  	s3 =	simm.s32 $0x108;
	s8 =	sld [smem:$0x3FAB]  }
0x2e: {  	s3 =	simm.s32 @!p0 $0x1082;
	s9 =	sld [smem:$0x3FAC]  }
0x2f: {  	lr =	sadd.s32 s0, s3;
	s0 =	sld [smem:$0x3FA3]  }
0x30: {  	s3 =	sld [smem:$0x3FA6]  }
0x31: {  	[smem:$0x3FAF] =	sst s10  }
0x32: {  	s10 =	sld [smem:$0x3FAD];
	_ =	sdelay $0x3  }
0x33: {  	p0 =	seq.s32 s10, $0x1;
	s10 =	sld [smem:$0x3FAF];
	_ =	sdelay $0x3  }
0x34: {  	[smem:$0x3FAF] =	sst s10  }
0x35: {  	s10 =	sld [smem:$0x3FAE];
	_ =	sdelay $0x3  }
0x36: {  	p1 =	seq.s32 s10, $0x1;
	s10 =	sld [smem:$0x3FAF];
	_ =	sdelay $0x3  }
0x37: {  	[smem:$0x3FAF] =	sst s10  }
0x38: {  	s10 =	sld [smem:$0x3FB0]  }
0x39: {  	_ = 	snop;
	(pc) =	sbr.ind lr, $3  }
0x3a: {  	_ = 	snop  }
0x3b: {  	_ = 	snop  }
0x3c: {  	p2 =	seq.s32 s10, $0x1;
	s10 =	sld [smem:$0x3FAF]  }
0x3d: {  	_ =	shalt  }
0x3e: {  	_ =	shalt  }
0x3f: {  	_ =	shalt  }
0x40: {  	_ =	shalt  }
0x41: {  	_ =	shalt  }
0x42: {  	_ =	shalt  }
0x43: {  	_ =	shalt  }
0x44: {  	_ =	shalt  }
0x45: {  	_ =	shalt  }
0x46: {  	_ =	shalt  }
0x47: {  	_ =	shalt  }
0x48: {  	_ =	shalt  }
0x49: {  	_ =	shalt  }
0x4a: {  	_ =	shalt  }
0x4b: {  	_ =	shalt  }
0x4c: {  	_ =	shalt  }
0x4d: {  	_ =	shalt  }
0x4e: {  	_ =	shalt  }
0x4f: {  	_ =	shalt  }
0x50: {  	_ =	shalt  }
0x51: {  	_ =	shalt  }
0x52: {  	_ =	shalt  }
0x53: {  	_ =	shalt  }
0x54: {  	_ =	shalt  }
0x55: {  	_ =	shalt  }
0x56: {  	_ =	shalt  }
0x57: {  	_ =	shalt  }
0x58: {  	_ =	shalt  }
0x59: {  	_ =	shalt  }
0x5a: {  	_ =	shalt  }
0x5b: {  	_ =	shalt  }
0x5c: {  	_ =	shalt  }
0x5d: {  	_ =	shalt  }
0x5e: {  	_ =	shalt  }
0x5f: {  	_ =	shalt  }
0x60: {  	_ =	shalt  }
0x61: {  	_ =	shalt  }
0x62: {  	_ =	shalt  }
0x63: {  	_ =	shalt  }
0x64: {  	_ =	shalt  }
0x65: {  	_ =	shalt  }
0x66: {  	_ =	shalt  }
0x67: {  	_ =	shalt  }
0x68: {  	_ =	shalt  }
0x69: {  	_ =	shalt  }
0x6a: {  	_ =	shalt  }
0x6b: {  	_ =	shalt  }
0x6c: {  	_ =	shalt  }
0x6d: {  	_ =	shalt  }
0x6e: {  	_ =	shalt  }
0x6f: {  	_ =	shalt  }
0x70: {  	_ =	shalt  }
0x71: {  	_ =	shalt  }
0x72: {  	_ =	shalt  }
0x73: {  	_ =	shalt  }
0x74: {  	_ =	shalt  }
0x75: {  	_ =	shalt  }
0x76: {  	_ =	shalt  }
0x77: {  	_ =	shalt  }
0x78: {  	_ =	shalt  }
0x79: {  	_ =	shalt  }
0x7a: {  	_ =	shalt  }
0x7b: {  	_ =	shalt  }
0x7c: {  	_ =	shalt  }
0x7d: {  	_ =	shalt  }
0x7e: {  	_ =	shalt  }
0x7f: {  	_ =	shalt  }
0x80: {  	_ =	shalt  }
0x81: {  	_ =	shalt  }
0x82: {  	_ =	shalt  }
0x83: {  	_ =	shalt  }
0x84: {  	_ =	shalt  }
0x85: {  	_ =	shalt  }
0x86: {  	_ =	shalt  }
0x87: {  	_ =	shalt  }
.Lfunc_end0:
.L_simem_size_0:
called_computation.2_lowered:
.L_overlay_start_0:
0x88: {  	s2 =	sld [smem:$0x3FD9]  }
0x89: {  	s3 =	sld [smem:$0x3FFE];
	_ =	sdelay $0x1  }
0x8a: {  	s1 =	srdreg.scid  }
0x8b: {  	s0 =	sand.u32 $0x1, s1  }
0x8c: {  	s16 =	sshll.u32 s0, $0xA;
	s2 =	sadd.s32 s3, s2  }
0x8d: {  	s2 =	sadd.s32 s2, s16  }
0x8e: {  	[smem:$0x3FBB] =	sst s2  }
0x8f: {  	_ = 	snop  }
0x90: {  	(tm) =	ssettm $0x1  }
0x91: {  	s17 =	sld [smem:$0x3FFB];
	_ =	sdelay $0x3  }
0x92: {  	_ =	strace s17  }
0x93: {  	s2 =	sld [smem:$0x3FFC];
	_ =	sdelay $0x3  }
0x94: {  	_ =	strace s2  }
0x95: {  	s2 =	sld [smem:$0x3FFD];
	_ =	sdelay $0x3  }
0x96: {  	_ =	strace s2  }
0x97: {  	_ =	strace $0x8FFFFFFF  }
0x98: {  	s18 =	sld [smem:$0x3FDB];
	_ =	sdelay $0x1  }
0x99: {  	s19 =	simm.s32 $_scs_section_size  }
0x9a: {  	s4 =	simm.s32 $_size__tile_overlayer_lowered;
	s5 =	simm.s32 $_tile_overlayer_lowered  }
0x9b: {  	s22 =	simm.s32 $0x1BFF;
	s21 =	sshll.u32 s5, $0x1;
	s2 =	sadd.s32 s19, s18  }
0x9c: {  	s6 =	simm.s32 $0x0;
	s20 =	sshll.u32 s4, $0x1;
	s4 =	sadd.s32 s21, s2  }
0x9d: {  	[timem:s6], [sflag:s22] =	dma.local [hbm:s4], s20  }
0x9e: {  	_ =	swait.ge [sflag:s22], s20  }
0x9f: {  	s3 =	ssub.s32 $0x0, s20;
	[sflag:s22] =	ssyncset.done $0x0  }
0xa0: {  	[sflag:s22] =	ssyncadd.s32 s3;
	_ =	sdelay $0x1  }
0xa1: {  	s23 =	simm.s32 $0x1B8B  }
0xa2: {  	_ =	swait.ge [sflag:s23], $0x1  }
0xa3: {  	[sflag:s23] =	ssyncset.done $0x0  }
0xa4: {  	s25 =	simm.s32 $0x1B8E;
	s24 =	sld [smem:$0x3FFE];
	[sflag:s23] =	ssyncadd.s32 $0xFFFFFFFF  }
0xa5: {  	s26 =	simm.s32 $execute0_lowered;
	[smem:$0x3FD2] =	sst s25  }
0xa6: {  	s4 =	sshll.u32 s26, $0x1;
	_ =	strace $0x8000004C;
	[dreg:$0x1] =	wrdreg $0xFFFFFFFF  }
0xa7: {  	s28 =	simm.s32 $_size_execute0_lowered;
	s2 =	sadd.s32 s2, s4;
	[dreg:$0x0] =	wrdreg $0x0  }
0xa8: {  	s4 =	sshll.u32 s28, $0x1;
	[dreg:$0x2] =	wrdreg s2  }
0xa9: {  	[dreg:$0x3] =	wrdreg s4  }
0xaa: {  	[dreg:$0x4] =	wrdreg $0xC0  }
0xab: {  	_ =	task [dreg:s6], $0x5FFFF  }
0xac: {  	[dreg:$0x1] =	wrdreg $0xFFFFFFFF  }
0xad: {  	[dreg:$0x0] =	wrdreg $0x60  }
0xae: {  	[dreg:$0x2] =	wrdreg s24  }
0xaf: {  	[dreg:$0x3] =	wrdreg $0x41000  }
0xb0: {  	[dreg:$0x4] =	wrdreg $0x9  }
0xb1: {  	_ =	task.clear_ibuf [dreg:s6], $0x5FFFF;
	_ =	strace $0x9000004C  }
0xb2: {  	s29 =	simm.s32 $0x9;
	_ =	strace $0x8000004E  }
0xb3: {  	_ =	swait.ge [sflag:s29], $0x1  }
0xb4: {  	[sflag:s29] =	ssyncadd.s32 $0xFFFFFFFF  }
0xb5: {  	_ =	strace $0x9000004E  }
0xb6: {  	_ =	sfence  }
0xb7: {  	s30 =	sld [smem:$0x0];
	_ =	sdelay $0x2  }
0xb8: {  	s31 =	sshll.u32 s1, $0xD;
	s1 =	sshrl.u32 s1, $0x2  }
0xb9: {  	s3 =	sand.u32 $0x4000, s31;
	s1 =	sadd.s32 s1, s30  }
0xba: {  	s0 =	sor.u32 s3, s0;
	s1 =	sshll.u32 s1, $0x11  }
0xbb: {  	s0 =	sor.u32 s1, s0  }
0xbc: {  	s0 =	sadd.s32 $0x8F2B, s0  }
0xbd: {  	[sflag:s0] =	ssyncadd.remote.s32 $0x1  }
0xbe: {  	_ =	sfence.sel $0xFFFF  }
0xbf: {  	[dreg:$0x0] =	wrdreg $0xFFFFFFFF;
	(pc) =	sbr.abs _section_cstart, $3  }
0xc0: {  	[dreg:$0x1] =	wrdreg $0xFFFFFFFF  }
0xc1: {  	_ =	task.clear_ibuf [dreg:s6], $0x2FFFF;
	_ =	strace $0x9FFFFFFF  }
0xc2: {  	(tm) =	ssettm $0x7FFFFFFF  }
0xc3: {  	_ =	shalt  }
tec
execute0_lowered:
.L_overlay_start_1:
0x0: {  	(tag) =	ssettag $0x1  }
0x1: {  	s0 =	srdreg.scid  }
0x2: {  	s5 =	rddreg [dreg:$0x0];
	s19 =	stileid.u32  }
0x3: {  	s2 =	rddreg [dreg:$0x1];
	s3 =	simm.s32 $0x0;
	s7 =	smul.u32 $0x2780, s19  }
0x4: {  	s28 =	simm.s32 $0x1;
	s29 =	simm.s32 $0x0;
	s15 =	smul.u32 $0xA000, s19  }
0x5: {  	s6 =	sand.u32 $0x1, s0;
	[smem:$0x7FF] =	sst s3;
	s20 =	smul.u32 $0x28000, s19  }
0x6: {  	s16 =	sadd.s32 $0x34000, s5;
	s4 =	smul.u32 $0x27800, s6;
	s21 =	ssub.s32 $0x2, s6  }
0x7: {  	s14 =	smul.u32 $0xA0000, s6;
	_ =	strace $0x8000004D;
	s8 =	sshrl.u32 s21, $0x1  }
0x8: {  	s13 =	sadd.s32 $0x2000, s15;
	s18 =	sadd.s32 $0x4000, s15;
	s25 =	sadd.s32 $0x6000, s15  }
0x9: {  	s4 =	sadd.s32 s7, s4;
	s22 =	sadd.s32 s14, s15;
	s8 =	ssub.s32 s21, s8  }
0xa: {  	s12 =	sadd.s32 s14, s13;
	s21 =	sadd.s32 s15, s2;
	s19 =	sadd.s32 s14, s18  }
0xb: {  	s7 =	sshrl.u32 s4, $0x3;
	s4 =	sadd.s32 $0x20600, s5;
	s6 =	sshrl.u32 s22, $0x3  }
0xc: {  	s12 =	sshrl.u32 s12, $0x3;
	s22 =	sadd.s32 s13, s2;
	s24 =	sshrl.u32 s19, $0x3  }
0xd: {  	s19 =	simm.s32 $0x2;
	s21 =	sshrl.u32 s21, $0x3;
	s17 =	sadd.s32 s7, s5  }
0xe: {  	s7 =	sshrl.u32 s20, $0x2;
	s23 =	sadd.s32 s16, s6;
	s12 =	sadd.s32 s16, s12  }
0xf: {  	s13 =	sadd.s32 s16, s24;
	s20 =	sadd.s32 s14, s25;
	s24 =	sadd.s32 s18, s2  }
0x10: {  	s25 =	sadd.s32 s25, s2;
	s18 =	simm.s32 $0x2100;
	s22 =	sshrl.u32 s22, $0x3  }
0x11: {  	s5 =	sadd.s32 s7, s2;
	[dreg:$0x3] =	wrdreg s23;
	s7 =	smax.u32 s8, $0x1  }
0x12: {  	s23 =	sadd.s32 $0x8000, s15;
	s26 =	sshrl.u32 s20, $0x3;
	s20 =	simm.s32 $0x80  }
0x13: {  	s8 =	sadd.s32 $0x2000, s5;
	s9 =	sadd.s32 $0x4000, s5;
	s10 =	sadd.s32 $0x6000, s5  }
0x14: {  	s11 =	sadd.s32 $0x8000, s5;
	s30 =	sadd.s32 s14, s23;
	s14 =	sadd.s32 s16, s26  }
0x15: {  	s26 =	sadd.s32 s23, s2;
	s23 =	sshrl.u32 s24, $0x3;
	s24 =	sshrl.u32 s25, $0x3  }
0x16: {  	s31 =	sshrl.u32 s30, $0x3;
	s25 =	sshrl.u32 s26, $0x3;
	s26 =	simm.s32 $0x100  }
0x17: {  	v0 =	vimm.f32 $0.0e+00;
	s15 =	sadd.s32 s16, s31;
	s16 =	sadd.s32 $0x2A00, s17;
	s17 =	sadd.s32 $0x16800, s17  }
.LBB2_1:
0x18: {  	s31 =	simm.s32 $0x100;
	s30 =	simm.s32 $0x0  }
.LBB2_2:
0x19: {  	p0 =	sne.s32 s31, $0x7F00;
	[tilespmem:s30+$0x2130] =	vst v0;
	s1 =	smov.u32 s31;
	s31 =	sadd.s32 $0x100, s31  }
.Ltmp0:
0x1a: {  	[tilespmem:s30+$0x2120] =	vst v0;
	(pc) =	sbr.rel @p0 .LBB2_2-.Ltmp0, $3  }
0x1b: {  	[tilespmem:s30+$0x2100] =	vst v0  }
0x1c: {  	[tilespmem:s30+$0x2110] =	vst v0;
	_ =	sdelay $0x1  }
0x1d: {  	s30 =	sshra.s32 s1, $0x2  }
0x1e: {  	[tilespmem:s30+$0x2130] =	vst v0  }
0x1f: {  	[tilespmem:s30+$0x2120] =	vst v0  }
0x20: {  	[tilespmem:s30+$0x2100] =	vst v0  }
0x21: {  	[tilespmem:s30+$0x2110] =	vst v0  }
0x22: {  	[spmem:s5] =	stream.linear.scatter [tilespmem:s18], [sflag:$0x2], $0x2000, $0x38;
	[tilespmem:$0xE100] =	vst v63  }
0x23: {  	_ =	swait.ge [sflag:s19], $0x2000  }
0x24: {  	[sflag:s19] =	ssyncset.done $0x0  }
0x25: {  	[sflag:s19] =	ssyncadd.s32 $0xFFFFE000  }
0x26: {  	[spmem:s8] =	stream.linear.scatter [tilespmem:s18], [sflag:$0x2], $0x2000, $0x38;
	[tilespmem:$0xE100] =	vst v63  }
0x27: {  	_ =	swait.ge [sflag:s19], $0x2000  }
0x28: {  	[sflag:s19] =	ssyncset.done $0x0  }
0x29: {  	[sflag:s19] =	ssyncadd.s32 $0xFFFFE000  }
0x2a: {  	[spmem:s9] =	stream.linear.scatter [tilespmem:s18], [sflag:$0x2], $0x2000, $0x38;
	[tilespmem:$0xE100] =	vst v63  }
0x2b: {  	_ =	swait.ge [sflag:s19], $0x2000  }
0x2c: {  	[sflag:s19] =	ssyncset.done $0x0  }
0x2d: {  	[sflag:s19] =	ssyncadd.s32 $0xFFFFE000  }
0x2e: {  	[spmem:s10] =	stream.linear.scatter [tilespmem:s18], [sflag:$0x2], $0x2000, $0x38;
	[tilespmem:$0xE100] =	vst v63  }
0x2f: {  	_ =	swait.ge [sflag:s19], $0x2000  }
0x30: {  	[sflag:s19] =	ssyncset.done $0x0  }
0x31: {  	[sflag:s19] =	ssyncadd.s32 $0xFFFFE000  }
0x32: {  	[spmem:s11] =	stream.linear.scatter [tilespmem:s18], [sflag:$0x2], $0x2000, $0x38;
	[tilespmem:$0xE100] =	vst v63  }
0x33: {  	_ =	swait.ge [sflag:s19], $0x2000  }
0x34: {  	[sflag:s19] =	ssyncset.done $0x0  }
0x35: {  	[sflag:s19] =	ssyncadd.s32 $0xFFFFE000  }
0x36: {  	s1 =	sadd.s32 $0x0, s17;
	[bflag:$0x0] =	sbarrier.arrive $0xFFFF  }
0x37: {  	[tilespmem:s3], [sflag:$0x2] =	stream.linear.gather [hbm4b:s1+s3], $0x80, $0x38;
	[tilespmem:$0xE100] =	vst v63  }
0x38: {  	_ =	swait.ge [sflag:s19], $0x80  }
0x39: {  	[sflag:s19] =	ssyncset.done $0x0  }
0x3a: {  	s6 =	sadd.s32 $0x0, s16;
	[sflag:s19] =	ssyncadd.s32 $0xFFFFFF80  }
0x3b: {  	[tilespmem:s20], [sflag:$0x2] =	stream.linear.gather [hbm4b:s6+s3], $0x80, $0x38;
	[tilespmem:$0xE100] =	vst v63  }
0x3c: {  	_ =	swait.ge [sflag:s19], $0x80  }
0x3d: {  	[sflag:s19] =	ssyncset.done $0x0  }
0x3e: {  	[sflag:s19] =	ssyncadd.s32 $0xFFFFFF80  }
0x3f: {  	[tilespmem:s26], [sflag:$0x1] =	stream.indirect.gather [hbm4b:s4+s20], $0x40, s3, s20, $0xb8;
	[tilespmem:$0xE100] =	vst v63  }
0x40: {  	_ =	swait.ge [sflag:s28], $0x2000  }
0x41: {  	[sflag:s28] =	ssyncset.done $0x0  }
0x42: {  	[sflag:s28] =	ssyncadd.s32 $0xFFFFE000  }
0x43: {  	[spmem:s2] =	stream.indirect.scatter.add.f32 [tilespmem:s26], [sflag:$0x2], $0x40, s20, s20, $0xb8;
	[tilespmem:$0xE100] =	vst v63  }
0x44: {  	_ =	swait.ge [sflag:s19], $0x2000  }
0x45: {  	s30 =	simm.s32 $0x10;
	s31 =	simm.s32 $0x20;
	[sflag:s19] =	ssyncset.done $0x0  }
.LBB2_4:
0x46: {  	s1 =	sadd.s32 s30, s17  }
0x47: {  	[sflag:s19] =	ssyncadd.s32 $0xFFFFE000;
	s0 =	smov.u32 s31;
	s6 =	sadd.s32 $0x10, s31  }
0x48: {  	[tilespmem:s3], [sflag:$0x2] =	stream.linear.gather [hbm4b:s1+s3], $0x80, $0x38;
	[tilespmem:$0xE100] =	vst v63  }
0x49: {  	p0 =	sne.s32 s31, $0x4E0;
	_ =	swait.ge [sflag:s19], $0x80  }
0x4a: {  	[sflag:s19] =	ssyncset.done $0x0  }
0x4b: {  	s1 =	sadd.s32 s30, s16;
	s30 =	smov.u32 s0;
	[sflag:s19] =	ssyncadd.s32 $0xFFFFFF80  }
0x4c: {  	[tilespmem:s20], [sflag:$0x2] =	stream.linear.gather [hbm4b:s1+s3], $0x80, $0x38;
	[tilespmem:$0xE100] =	vst v63  }
0x4d: {  	_ =	swait.ge [sflag:s19], $0x80  }
0x4e: {  	[sflag:s19] =	ssyncset.done $0x0  }
0x4f: {  	[sflag:s19] =	ssyncadd.s32 $0xFFFFFF80  }
0x50: {  	[tilespmem:s26], [sflag:$0x1] =	stream.indirect.gather [hbm4b:s4+s20], $0x40, s3, s20, $0xb8;
	[tilespmem:$0xE100] =	vst v63  }
0x51: {  	_ =	swait.ge [sflag:s28], $0x2000  }
.Ltmp1:
0x52: {  	[sflag:s28] =	ssyncset.done $0x0;
	(pc) =	sbr.rel @p0 .LBB2_4-.Ltmp1, $4  }
0x53: {  	[sflag:s28] =	ssyncadd.s32 $0xFFFFE000  }
0x54: {  	[spmem:s2] =	stream.indirect.scatter.add.f32 [tilespmem:s26], [sflag:$0x2], $0x40, s20, s20, $0xb8;
	[tilespmem:$0xE100] =	vst v63  }
0x55: {  	_ =	swait.ge [sflag:s19], $0x2000  }
0x56: {  	s31 =	smov.u32 s6;
	[sflag:s19] =	ssyncset.done $0x0  }
0x57: {  	s0 =	sadd.s32 s30, s17;
	[sflag:s19] =	ssyncadd.s32 $0xFFFFE000  }
0x58: {  	[tilespmem:s3], [sflag:$0x2] =	stream.linear.gather [hbm4b:s0+s3], $0x80, $0x38;
	[tilespmem:$0xE100] =	vst v63  }
0x59: {  	_ =	swait.ge [sflag:s19], $0x80  }
0x5a: {  	[sflag:s19] =	ssyncset.done $0x0  }
0x5b: {  	s30 =	sadd.s32 s30, s16;
	[sflag:s19] =	ssyncadd.s32 $0xFFFFFF80  }
0x5c: {  	[tilespmem:s20], [sflag:$0x2] =	stream.linear.gather [hbm4b:s30+s3], $0x80, $0x38;
	[tilespmem:$0xE100] =	vst v63  }
0x5d: {  	_ =	swait.ge [sflag:s19], $0x80  }
0x5e: {  	[sflag:s19] =	ssyncset.done $0x0  }
0x5f: {  	[sflag:s19] =	ssyncadd.s32 $0xFFFFFF80  }
0x60: {  	[tilespmem:s26], [sflag:$0x1] =	stream.indirect.gather [hbm4b:s4+s20], $0x40, s3, s20, $0xb8;
	[tilespmem:$0xE100] =	vst v63  }
0x61: {  	_ =	swait.ge [sflag:s28], $0x2000  }
0x62: {  	[sflag:s28] =	ssyncset.done $0x0  }
0x63: {  	[sflag:s28] =	ssyncadd.s32 $0xFFFFE000  }
0x64: {  	[spmem:s2] =	stream.indirect.scatter.add.f32 [tilespmem:s26], [sflag:$0x2], $0x40, s20, s20, $0xb8;
	[tilespmem:$0xE100] =	vst v63  }
0x65: {  	_ =	swait.ge [sflag:s19], $0x2000  }
0x66: {  	[sflag:s19] =	ssyncset.done $0x0  }
0x67: {  	s31 =	stileid.u32;
	[sflag:s19] =	ssyncadd.s32 $0xFFFFE000  }
0x68: {  	s0 =	sshll.u32 s31, $0x6;
	[bflag:$0x0] =	sbarrier.arrive $0xFFFF  }
0x69: {  	s0 =	sor.u32 $0x1C02, s0;
	s1 =	rddreg [dreg:$0x3]  }
0x6a: {  	[hbm:s1], [sflag:s0] =	dma.local [spmem:s21], $0x400  }
0x6b: {  	_ =	swait.ge [sflag:s19], $0x400  }
0x6c: {  	[sflag:s19] =	ssyncset.done $0x0  }
0x6d: {  	[sflag:s19] =	ssyncadd.s32 $0xFFFFFC00  }
0x6e: {  	[hbm:s12], [sflag:s0] =	dma.local [spmem:s22], $0x400  }
0x6f: {  	_ =	swait.ge [sflag:s19], $0x400  }
0x70: {  	[sflag:s19] =	ssyncset.done $0x0  }
0x71: {  	[sflag:s19] =	ssyncadd.s32 $0xFFFFFC00  }
0x72: {  	[hbm:s13], [sflag:s0] =	dma.local [spmem:s23], $0x400  }
0x73: {  	_ =	swait.ge [sflag:s19], $0x400  }
0x74: {  	[sflag:s19] =	ssyncset.done $0x0  }
0x75: {  	[sflag:s19] =	ssyncadd.s32 $0xFFFFFC00  }
0x76: {  	[hbm:s14], [sflag:s0] =	dma.local [spmem:s24], $0x400  }
0x77: {  	s29 =	sadd.s32 $0x1, s29;
	_ =	swait.ge [sflag:s19], $0x400  }
0x78: {  	p0 =	sne.s32 s29, s7;
	[sflag:s19] =	ssyncset.done $0x0  }
.Ltmp2:
0x79: {  	[sflag:s19] =	ssyncadd.s32 $0xFFFFFC00;
	(pc) =	sbr.rel @p0 .LBB2_1-.Ltmp2, $4  }
0x7a: {  	[hbm:s15], [sflag:s0] =	dma.local [spmem:s25], $0x400  }
0x7b: {  	_ =	swait.ge [sflag:s19], $0x400  }
0x7c: {  	[sflag:s19] =	ssyncset.done $0x0  }
0x7d: {  	[sflag:s19] =	ssyncadd.s32 $0xFFFFFC00  }
0x7e: {  	_ =	sfence.sel $0x180000  }
0x7f: {  	[bflag:$0x0] =	sbarrier.arrive $0xFFFF  }
0x80: {  	_ =	strace $0x9000004D  }
0x81: {  	s0 =	stileid.u32;
	[bflag:$0x2] =	sbarrier.arrive $0xFFFF  }
0x82: {  	p0 =	sne.s32 s0, $0x0;
	s0 =	rddreg [dreg:$0x2]  }
0x83: {  	s0 =	sadd.s32 @!p0 $0x100000, s0  }
0x84: {  	[sflag:s0] =	ssyncadd.tile.s32 @!p0 $0x1;
	_ =	shalt  }
.Lfunc_end2:
_tile_overlayer_lowered:
.L_overlay_start_2:
0x85: {  	(tag) =	ssettag $0x2  }
0x86: {  	s0 =	rddreg [dreg:$0x0];
	s2 =	stileid.u32  }
0x87: {  	s1 =	rddreg [dreg:$0x1];
	p0 =	sne.s32 s2, $0x0  }
0x88: {  	s3 =	rddreg [dreg:$0x2];
	[bflag:$0x3] =	sbarrier.arrive $0xFFFF;
	s2 =	simm.s32 @!p0 $0x1C02  }
0x89: {  	[timem:s3], [sflag:s2] =	dma.local @!p0 [hbm:s0], s1  }
0x8a: {  	s0 =	simm.s32 @!p0 $0x2  }
0x8b: {  	_ =	swait.ge @!p0 [sflag:s0], s1  }
0x8c: {  	s1 =	ssub.s32 @!p0 $0x0, s1;
	[sflag:s0] =	ssyncset.done @!p0 $0x0  }
0x8d: {  	[sflag:s0] =	ssyncadd.s32 @!p0 s1  }
0x8e: {  	[bflag:$0x3] =	sbarrier.arrive $0xFFFF  }
0x8f: {  	_ =	shalt  }

// kernel: kernel.19.cloned.1.call-start
scs
__scs_entry_jumppad:
0x0: {  	(pc) =	sbr.rel $0x88, $3  }
0x1: {  	(tag) =	ssettag $0x0;
	lr =	simm.s32 $0x1  }
0x2: {  	[smem:$0x3F94] =	sst lr;
	_ =	strace $0xD0000000  }
0x3: {  	_ = 	snop  }
0x4: {  	_ = 	snop  }
0x5: {  	_ = 	snop  }
0x6: {  	_ = 	snop  }
0x7: {  	_ = 	snop  }
__scs_overlays_trampoline_lowered:
0x8: {  	[smem:$0x3FA3] =	sst s0  }
0x9: {  	[smem:$0x3FA4] =	sst s1  }
0xa: {  	[smem:$0x3FA5] =	sst s2  }
0xb: {  	[smem:$0x3FA6] =	sst s3  }
0xc: {  	[smem:$0x3FA7] =	sst s4  }
0xd: {  	[smem:$0x3FA8] =	sst s5  }
0xe: {  	[smem:$0x3FA9] =	sst s6  }
0xf: {  	[smem:$0x3FAA] =	sst s7  }
0x10: {  	[smem:$0x3FAB] =	sst s8  }
0x11: {  	[smem:$0x3FAC] =	sst s9;
	s0 =	simm.s32 @!p0 $0x0  }
0x12: {  	s1 =	sld [smem:$0x3F92];
	s0 =	simm.s32 @p0 $0x1  }
0x13: {  	[smem:$0x3FAD] =	sst s0;
	s0 =	simm.s32 @!p1 $0x0  }
0x14: {  	s2 =	sld [smem:$0x3F91];
	s0 =	simm.s32 @p1 $0x1  }
0x15: {  	[smem:$0x3FAE] =	sst s0;
	s0 =	simm.s32 @!p2 $0x0  }
0x16: {  	s3 =	sld [smem:$0x3FDB];
	s0 =	simm.s32 @p2 $0x1  }
0x17: {  	s4 =	simm.s32 $0x1BF5;
	[smem:$0x3FB0] =	sst s0  }
0x18: {  	s0 =	sld [smem:$0x3F93];
	_ =	swait.ge [sflag:s4], $0x0  }
0x19: {  	s7 =	sld [smem:$0x3F94]  }
0x1a: {  	s8 =	sadd.s32 $0xFFFFE003, lr  }
0x1b: {  	s9 =	sadd.s32 $0xFFFFFEF7, lr;
	s5 =	simm.s32 $0xFFFFFFFF;
	p2 =	slt.u32 s8, $0xFFFFF086  }
0x1c: {  	p1 =	slt.u32 s9, $0xF7A;
	s5 =	simm.s32 @!p2 $0x0  }
0x1d: {  	s5 =	simm.s32 @p1 $0x1;
	p0 =	seq.s32 s7, s2  }
0x1e: {  	s7 =	smul.u32 @!p0 $0xF7A, s2;
	p2 =	seq.s32 @!p0 s5, $0x0  }
0x1f: {  	s9 =	smul.u32 $0xF7A, s1;
	s8 =	simm.s32 @!p0 $0x1BF5;
	p2 =	por !p2, p0  }
0x20: {  	[sflag:s8] =	ssyncset.s32 @!p0 $0xFFFFF086;
	s6 =	sadd.s32 @!p0 s3, s7;
	s7 =	simm.s32 @!p0 $0x108  }
0x21: {  	s3 =	sadd.s32 s3, s9;
	s6 =	sadd.s32 @!p0 $0x88, s6;
	s7 =	simm.s32 @p2 $0x1082  }
0x22: {  	[simem:s7], [sflag:s8] =	dma.local @!p0 [hbm:s6], $0xF7A  }
0x23: {  	s9 =	sor.u32 $0xD0000000, s2;
	s6 =	simm.s32 $0x108;
	_ =	swait.ge @!p0 [sflag:s8], $0x0  }
0x24: {  	s3 =	sadd.s32 $0x88, s3;
	s6 =	simm.s32 @!p1 $0x1082;
	[sflag:s4] =	ssyncset.s32 $0xFFFFF086  }
0x25: {  	[simem:s6], [sflag:s4] =	dma.local [hbm:s3], $0xF7A  }
0x26: {  	[smem:$0x3F94] =	sst s1;
	(tag) =	ssettag s2;
	_ =	strace s9  }
0x27: {  	s1 =	sld [smem:$0x3FA4]  }
0x28: {  	s2 =	sld [smem:$0x3FA5]  }
0x29: {  	s4 =	sld [smem:$0x3FA7]  }
0x2a: {  	p0 =	seq.s32 s5, $0x0;
	s5 =	sld [smem:$0x3FA8]  }
0x2b: {  	s6 =	sld [smem:$0x3FA9]  }
0x2c: {  	s7 =	sld [smem:$0x3FAA]  }
0x2d: {  	s3 =	simm.s32 $0x108;
	s8 =	sld [smem:$0x3FAB]  }
0x2e: {  	s3 =	simm.s32 @!p0 $0x1082;
	s9 =	sld [smem:$0x3FAC]  }
0x2f: {  	lr =	sadd.s32 s0, s3;
	s0 =	sld [smem:$0x3FA3]  }
0x30: {  	s3 =	sld [smem:$0x3FA6]  }
0x31: {  	[smem:$0x3FAF] =	sst s10  }
0x32: {  	s10 =	sld [smem:$0x3FAD];
	_ =	sdelay $0x3  }
0x33: {  	p0 =	seq.s32 s10, $0x1;
	s10 =	sld [smem:$0x3FAF];
	_ =	sdelay $0x3  }
0x34: {  	[smem:$0x3FAF] =	sst s10  }
0x35: {  	s10 =	sld [smem:$0x3FAE];
	_ =	sdelay $0x3  }
0x36: {  	p1 =	seq.s32 s10, $0x1;
	s10 =	sld [smem:$0x3FAF];
	_ =	sdelay $0x3  }
0x37: {  	[smem:$0x3FAF] =	sst s10  }
0x38: {  	s10 =	sld [smem:$0x3FB0]  }
0x39: {  	_ = 	snop;
	(pc) =	sbr.ind lr, $3  }
0x3a: {  	_ = 	snop  }
0x3b: {  	_ = 	snop  }
0x3c: {  	p2 =	seq.s32 s10, $0x1;
	s10 =	sld [smem:$0x3FAF]  }
0x3d: {  	_ =	shalt  }
0x3e: {  	_ =	shalt  }
0x3f: {  	_ =	shalt  }
0x40: {  	_ =	shalt  }
0x41: {  	_ =	shalt  }
0x42: {  	_ =	shalt  }
0x43: {  	_ =	shalt  }
0x44: {  	_ =	shalt  }
0x45: {  	_ =	shalt  }
0x46: {  	_ =	shalt  }
0x47: {  	_ =	shalt  }
0x48: {  	_ =	shalt  }
0x49: {  	_ =	shalt  }
0x4a: {  	_ =	shalt  }
0x4b: {  	_ =	shalt  }
0x4c: {  	_ =	shalt  }
0x4d: {  	_ =	shalt  }
0x4e: {  	_ =	shalt  }
0x4f: {  	_ =	shalt  }
0x50: {  	_ =	shalt  }
0x51: {  	_ =	shalt  }
0x52: {  	_ =	shalt  }
0x53: {  	_ =	shalt  }
0x54: {  	_ =	shalt  }
0x55: {  	_ =	shalt  }
0x56: {  	_ =	shalt  }
0x57: {  	_ =	shalt  }
0x58: {  	_ =	shalt  }
0x59: {  	_ =	shalt  }
0x5a: {  	_ =	shalt  }
0x5b: {  	_ =	shalt  }
0x5c: {  	_ =	shalt  }
0x5d: {  	_ =	shalt  }
0x5e: {  	_ =	shalt  }
0x5f: {  	_ =	shalt  }
0x60: {  	_ =	shalt  }
0x61: {  	_ =	shalt  }
0x62: {  	_ =	shalt  }
0x63: {  	_ =	shalt  }
0x64: {  	_ =	shalt  }
0x65: {  	_ =	shalt  }
0x66: {  	_ =	shalt  }
0x67: {  	_ =	shalt  }
0x68: {  	_ =	shalt  }
0x69: {  	_ =	shalt  }
0x6a: {  	_ =	shalt  }
0x6b: {  	_ =	shalt  }
0x6c: {  	_ =	shalt  }
0x6d: {  	_ =	shalt  }
0x6e: {  	_ =	shalt  }
0x6f: {  	_ =	shalt  }
0x70: {  	_ =	shalt  }
0x71: {  	_ =	shalt  }
0x72: {  	_ =	shalt  }
0x73: {  	_ =	shalt  }
0x74: {  	_ =	shalt  }
0x75: {  	_ =	shalt  }
0x76: {  	_ =	shalt  }
0x77: {  	_ =	shalt  }
0x78: {  	_ =	shalt  }
0x79: {  	_ =	shalt  }
0x7a: {  	_ =	shalt  }
0x7b: {  	_ =	shalt  }
0x7c: {  	_ =	shalt  }
0x7d: {  	_ =	shalt  }
0x7e: {  	_ =	shalt  }
0x7f: {  	_ =	shalt  }
0x80: {  	_ =	shalt  }
0x81: {  	_ =	shalt  }
0x82: {  	_ =	shalt  }
0x83: {  	_ =	shalt  }
0x84: {  	_ =	shalt  }
0x85: {  	_ =	shalt  }
0x86: {  	_ =	shalt  }
0x87: {  	_ =	shalt  }
.Lfunc_end0:
.L_simem_size_0:
called_computation.3_lowered:
.L_overlay_start_0:
0x88: {  	s2 =	sld [smem:$0x3FD9]  }
0x89: {  	s3 =	sld [smem:$0x3FFE];
	_ =	sdelay $0x1  }
0x8a: {  	s1 =	srdreg.scid  }
0x8b: {  	s0 =	sand.u32 $0x1, s1  }
0x8c: {  	s16 =	sshll.u32 s0, $0xA;
	s2 =	sadd.s32 s3, s2  }
0x8d: {  	s2 =	sadd.s32 s2, s16  }
0x8e: {  	[smem:$0x3FBB] =	sst s2  }
0x8f: {  	_ = 	snop  }
0x90: {  	(tm) =	ssettm $0x1  }
0x91: {  	s17 =	sld [smem:$0x3FFB];
	_ =	sdelay $0x3  }
0x92: {  	_ =	strace s17  }
0x93: {  	s2 =	sld [smem:$0x3FFC];
	_ =	sdelay $0x3  }
0x94: {  	_ =	strace s2  }
0x95: {  	s2 =	sld [smem:$0x3FFD];
	_ =	sdelay $0x3  }
0x96: {  	_ =	strace s2  }
0x97: {  	_ =	strace $0x8FFFFFFF  }
0x98: {  	s18 =	sld [smem:$0x3FDB];
	_ =	sdelay $0x1  }
0x99: {  	s19 =	simm.s32 $_scs_section_size  }
0x9a: {  	s4 =	simm.s32 $_size__tile_overlayer_lowered;
	s5 =	simm.s32 $_tile_overlayer_lowered  }
0x9b: {  	s22 =	simm.s32 $0x1BFF;
	s21 =	sshll.u32 s5, $0x1;
	s2 =	sadd.s32 s19, s18  }
0x9c: {  	s6 =	simm.s32 $0x0;
	s20 =	sshll.u32 s4, $0x1;
	s4 =	sadd.s32 s21, s2  }
0x9d: {  	[timem:s6], [sflag:s22] =	dma.local [hbm:s4], s20  }
0x9e: {  	_ =	swait.ge [sflag:s22], s20  }
0x9f: {  	s3 =	ssub.s32 $0x0, s20;
	[sflag:s22] =	ssyncset.done $0x0  }
0xa0: {  	[sflag:s22] =	ssyncadd.s32 s3;
	_ =	sdelay $0x1  }
0xa1: {  	s23 =	simm.s32 $0x1B8B  }
0xa2: {  	_ =	swait.ge [sflag:s23], $0x1  }
0xa3: {  	[sflag:s23] =	ssyncset.done $0x0  }
0xa4: {  	s25 =	simm.s32 $0x1B8E;
	s24 =	sld [smem:$0x3FFE];
	[sflag:s23] =	ssyncadd.s32 $0xFFFFFFFF  }
0xa5: {  	s26 =	simm.s32 $execute0_lowered;
	[smem:$0x3FD2] =	sst s25  }
0xa6: {  	s4 =	sshll.u32 s26, $0x1;
	_ =	strace $0x8000004F;
	[dreg:$0x1] =	wrdreg $0xFFFFFFFF  }
0xa7: {  	s28 =	simm.s32 $_size_execute0_lowered;
	s2 =	sadd.s32 s2, s4;
	[dreg:$0x0] =	wrdreg $0x0  }
0xa8: {  	s4 =	sshll.u32 s28, $0x1;
	[dreg:$0x2] =	wrdreg s2  }
0xa9: {  	[dreg:$0x3] =	wrdreg s4  }
0xaa: {  	[dreg:$0x4] =	wrdreg $0xC0  }
0xab: {  	_ =	task [dreg:s6], $0x5FFFF  }
0xac: {  	[dreg:$0x1] =	wrdreg $0xFFFFFFFF  }
0xad: {  	[dreg:$0x0] =	wrdreg $0x60  }
0xae: {  	[dreg:$0x2] =	wrdreg s24  }
0xaf: {  	[dreg:$0x3] =	wrdreg $0x41000  }
0xb0: {  	[dreg:$0x4] =	wrdreg $0x9  }
0xb1: {  	_ =	task.clear_ibuf [dreg:s6], $0x5FFFF;
	_ =	strace $0x9000004F  }
0xb2: {  	s29 =	simm.s32 $0x9;
	_ =	strace $0x80000051  }
0xb3: {  	_ =	swait.ge [sflag:s29], $0x1  }
0xb4: {  	[sflag:s29] =	ssyncadd.s32 $0xFFFFFFFF  }
0xb5: {  	_ =	strace $0x90000051  }
0xb6: {  	_ =	sfence  }
0xb7: {  	s30 =	sld [smem:$0x0];
	_ =	sdelay $0x2  }
0xb8: {  	s31 =	sshll.u32 s1, $0xD;
	s1 =	sshrl.u32 s1, $0x2  }
0xb9: {  	s3 =	sand.u32 $0x4000, s31;
	s1 =	sadd.s32 s1, s30  }
0xba: {  	s0 =	sor.u32 s3, s0;
	s1 =	sshll.u32 s1, $0x11  }
0xbb: {  	s0 =	sor.u32 s1, s0  }
0xbc: {  	s0 =	sadd.s32 $0x8F2B, s0  }
0xbd: {  	[sflag:s0] =	ssyncadd.remote.s32 $0x1  }
0xbe: {  	_ =	sfence.sel $0xFFFF  }
0xbf: {  	[dreg:$0x0] =	wrdreg $0xFFFFFFFF;
	(pc) =	sbr.abs _section_cstart, $3  }
0xc0: {  	[dreg:$0x1] =	wrdreg $0xFFFFFFFF  }
0xc1: {  	_ =	task.clear_ibuf [dreg:s6], $0x2FFFF;
	_ =	strace $0x9FFFFFFF  }
0xc2: {  	(tm) =	ssettm $0x7FFFFFFF  }
0xc3: {  	_ =	shalt  }
tec
execute0_lowered:
.L_overlay_start_1:
0x0: {  	(tag) =	ssettag $0x1  }
0x1: {  	s0 =	srdreg.scid  }
0x2: {  	s5 =	rddreg [dreg:$0x0];
	s19 =	stileid.u32  }
0x3: {  	s2 =	rddreg [dreg:$0x1];
	s3 =	simm.s32 $0x0;
	s7 =	smul.u32 $0x2780, s19  }
0x4: {  	s28 =	simm.s32 $0x1;
	s29 =	simm.s32 $0x0;
	s15 =	smul.u32 $0xA000, s19  }
0x5: {  	s6 =	sand.u32 $0x1, s0;
	[smem:$0x7FF] =	sst s3;
	s20 =	smul.u32 $0x28000, s19  }
0x6: {  	s16 =	sadd.s32 $0x34000, s5;
	s4 =	smul.u32 $0x27800, s6;
	s21 =	ssub.s32 $0x2, s6  }
0x7: {  	s14 =	smul.u32 $0xA0000, s6;
	_ =	strace $0x80000050;
	s8 =	sshrl.u32 s21, $0x1  }
0x8: {  	s13 =	sadd.s32 $0x2000, s15;
	s18 =	sadd.s32 $0x4000, s15;
	s25 =	sadd.s32 $0x6000, s15  }
0x9: {  	s4 =	sadd.s32 s7, s4;
	s22 =	sadd.s32 s14, s15;
	s8 =	ssub.s32 s21, s8  }
0xa: {  	s12 =	sadd.s32 s14, s13;
	s21 =	sadd.s32 s15, s2;
	s19 =	sadd.s32 s14, s18  }
0xb: {  	s7 =	sshrl.u32 s4, $0x3;
	s4 =	sadd.s32 $0x20600, s5;
	s6 =	sshrl.u32 s22, $0x3  }
0xc: {  	s12 =	sshrl.u32 s12, $0x3;
	s22 =	sadd.s32 s13, s2;
	s24 =	sshrl.u32 s19, $0x3  }
0xd: {  	s19 =	simm.s32 $0x2;
	s21 =	sshrl.u32 s21, $0x3;
	s17 =	sadd.s32 s7, s5  }
0xe: {  	s7 =	sshrl.u32 s20, $0x2;
	s23 =	sadd.s32 s16, s6;
	s12 =	sadd.s32 s16, s12  }
0xf: {  	s13 =	sadd.s32 s16, s24;
	s20 =	sadd.s32 s14, s25;
	s24 =	sadd.s32 s18, s2  }
0x10: {  	s25 =	sadd.s32 s25, s2;
	s18 =	simm.s32 $0x2100;
	s22 =	sshrl.u32 s22, $0x3  }
0x11: {  	s5 =	sadd.s32 s7, s2;
	[dreg:$0x3] =	wrdreg s23;
	s7 =	smax.u32 s8, $0x1  }
0x12: {  	s23 =	sadd.s32 $0x8000, s15;
	s26 =	sshrl.u32 s20, $0x3;
	s20 =	simm.s32 $0x80  }
0x13: {  	s8 =	sadd.s32 $0x2000, s5;
	s9 =	sadd.s32 $0x4000, s5;
	s10 =	sadd.s32 $0x6000, s5  }
0x14: {  	s11 =	sadd.s32 $0x8000, s5;
	s30 =	sadd.s32 s14, s23;
	s14 =	sadd.s32 s16, s26  }
0x15: {  	s26 =	sadd.s32 s23, s2;
	s23 =	sshrl.u32 s24, $0x3;
	s24 =	sshrl.u32 s25, $0x3  }
0x16: {  	s31 =	sshrl.u32 s30, $0x3;
	s25 =	sshrl.u32 s26, $0x3;
	s26 =	simm.s32 $0x100  }
0x17: {  	v0 =	vimm.f32 $0.0e+00;
	s15 =	sadd.s32 s16, s31;
	s16 =	sadd.s32 $0x2A00, s17;
	s17 =	sadd.s32 $0x16800, s17  }
.LBB2_1:
0x18: {  	s31 =	simm.s32 $0x100;
	s30 =	simm.s32 $0x0  }
.LBB2_2:
0x19: {  	p0 =	sne.s32 s31, $0x7F00;
	[tilespmem:s30+$0x2130] =	vst v0;
	s1 =	smov.u32 s31;
	s31 =	sadd.s32 $0x100, s31  }
.Ltmp0:
0x1a: {  	[tilespmem:s30+$0x2120] =	vst v0;
	(pc) =	sbr.rel @p0 .LBB2_2-.Ltmp0, $3  }
0x1b: {  	[tilespmem:s30+$0x2100] =	vst v0  }
0x1c: {  	[tilespmem:s30+$0x2110] =	vst v0;
	_ =	sdelay $0x1  }
0x1d: {  	s30 =	sshra.s32 s1, $0x2  }
0x1e: {  	[tilespmem:s30+$0x2130] =	vst v0  }
0x1f: {  	[tilespmem:s30+$0x2120] =	vst v0  }
0x20: {  	[tilespmem:s30+$0x2100] =	vst v0  }
0x21: {  	[tilespmem:s30+$0x2110] =	vst v0  }
0x22: {  	[spmem:s5] =	stream.linear.scatter [tilespmem:s18], [sflag:$0x2], $0x2000, $0x38;
	[tilespmem:$0xE100] =	vst v63  }
0x23: {  	_ =	swait.ge [sflag:s19], $0x2000  }
0x24: {  	[sflag:s19] =	ssyncset.done $0x0  }
0x25: {  	[sflag:s19] =	ssyncadd.s32 $0xFFFFE000  }
0x26: {  	[spmem:s8] =	stream.linear.scatter [tilespmem:s18], [sflag:$0x2], $0x2000, $0x38;
	[tilespmem:$0xE100] =	vst v63  }
0x27: {  	_ =	swait.ge [sflag:s19], $0x2000  }
0x28: {  	[sflag:s19] =	ssyncset.done $0x0  }
0x29: {  	[sflag:s19] =	ssyncadd.s32 $0xFFFFE000  }
0x2a: {  	[spmem:s9] =	stream.linear.scatter [tilespmem:s18], [sflag:$0x2], $0x2000, $0x38;
	[tilespmem:$0xE100] =	vst v63  }
0x2b: {  	_ =	swait.ge [sflag:s19], $0x2000  }
0x2c: {  	[sflag:s19] =	ssyncset.done $0x0  }
0x2d: {  	[sflag:s19] =	ssyncadd.s32 $0xFFFFE000  }
0x2e: {  	[spmem:s10] =	stream.linear.scatter [tilespmem:s18], [sflag:$0x2], $0x2000, $0x38;
	[tilespmem:$0xE100] =	vst v63  }
0x2f: {  	_ =	swait.ge [sflag:s19], $0x2000  }
0x30: {  	[sflag:s19] =	ssyncset.done $0x0  }
0x31: {  	[sflag:s19] =	ssyncadd.s32 $0xFFFFE000  }
0x32: {  	[spmem:s11] =	stream.linear.scatter [tilespmem:s18], [sflag:$0x2], $0x2000, $0x38;
	[tilespmem:$0xE100] =	vst v63  }
0x33: {  	_ =	swait.ge [sflag:s19], $0x2000  }
0x34: {  	[sflag:s19] =	ssyncset.done $0x0  }
0x35: {  	[sflag:s19] =	ssyncadd.s32 $0xFFFFE000  }
0x36: {  	s1 =	sadd.s32 $0x0, s17;
	[bflag:$0x0] =	sbarrier.arrive $0xFFFF  }
0x37: {  	[tilespmem:s3], [sflag:$0x2] =	stream.linear.gather [hbm4b:s1+s3], $0x80, $0x38;
	[tilespmem:$0xE100] =	vst v63  }
0x38: {  	_ =	swait.ge [sflag:s19], $0x80  }
0x39: {  	[sflag:s19] =	ssyncset.done $0x0  }
0x3a: {  	s6 =	sadd.s32 $0x0, s16;
	[sflag:s19] =	ssyncadd.s32 $0xFFFFFF80  }
0x3b: {  	[tilespmem:s20], [sflag:$0x2] =	stream.linear.gather [hbm4b:s6+s3], $0x80, $0x38;
	[tilespmem:$0xE100] =	vst v63  }
0x3c: {  	_ =	swait.ge [sflag:s19], $0x80  }
0x3d: {  	[sflag:s19] =	ssyncset.done $0x0  }
0x3e: {  	[sflag:s19] =	ssyncadd.s32 $0xFFFFFF80  }
0x3f: {  	[tilespmem:s26], [sflag:$0x1] =	stream.indirect.gather [hbm4b:s4+s20], $0x40, s3, s20, $0xb8;
	[tilespmem:$0xE100] =	vst v63  }
0x40: {  	_ =	swait.ge [sflag:s28], $0x2000  }
0x41: {  	[sflag:s28] =	ssyncset.done $0x0  }
0x42: {  	[sflag:s28] =	ssyncadd.s32 $0xFFFFE000  }
0x43: {  	[spmem:s2] =	stream.indirect.scatter.add.f32 [tilespmem:s26], [sflag:$0x2], $0x40, s20, s20, $0xb8;
	[tilespmem:$0xE100] =	vst v63  }
0x44: {  	_ =	swait.ge [sflag:s19], $0x2000  }
0x45: {  	s30 =	simm.s32 $0x10;
	s31 =	simm.s32 $0x20;
	[sflag:s19] =	ssyncset.done $0x0  }
.LBB2_4:
0x46: {  	s1 =	sadd.s32 s30, s17  }
0x47: {  	[sflag:s19] =	ssyncadd.s32 $0xFFFFE000;
	s0 =	smov.u32 s31;
	s6 =	sadd.s32 $0x10, s31  }
0x48: {  	[tilespmem:s3], [sflag:$0x2] =	stream.linear.gather [hbm4b:s1+s3], $0x80, $0x38;
	[tilespmem:$0xE100] =	vst v63  }
0x49: {  	p0 =	sne.s32 s31, $0x4E0;
	_ =	swait.ge [sflag:s19], $0x80  }
0x4a: {  	[sflag:s19] =	ssyncset.done $0x0  }
0x4b: {  	s1 =	sadd.s32 s30, s16;
	s30 =	smov.u32 s0;
	[sflag:s19] =	ssyncadd.s32 $0xFFFFFF80  }
0x4c: {  	[tilespmem:s20], [sflag:$0x2] =	stream.linear.gather [hbm4b:s1+s3], $0x80, $0x38;
	[tilespmem:$0xE100] =	vst v63  }
0x4d: {  	_ =	swait.ge [sflag:s19], $0x80  }
0x4e: {  	[sflag:s19] =	ssyncset.done $0x0  }
0x4f: {  	[sflag:s19] =	ssyncadd.s32 $0xFFFFFF80  }
0x50: {  	[tilespmem:s26], [sflag:$0x1] =	stream.indirect.gather [hbm4b:s4+s20], $0x40, s3, s20, $0xb8;
	[tilespmem:$0xE100] =	vst v63  }
0x51: {  	_ =	swait.ge [sflag:s28], $0x2000  }
.Ltmp1:
0x52: {  	[sflag:s28] =	ssyncset.done $0x0;
	(pc) =	sbr.rel @p0 .LBB2_4-.Ltmp1, $4  }
0x53: {  	[sflag:s28] =	ssyncadd.s32 $0xFFFFE000  }
0x54: {  	[spmem:s2] =	stream.indirect.scatter.add.f32 [tilespmem:s26], [sflag:$0x2], $0x40, s20, s20, $0xb8;
	[tilespmem:$0xE100] =	vst v63  }
0x55: {  	_ =	swait.ge [sflag:s19], $0x2000  }
0x56: {  	s31 =	smov.u32 s6;
	[sflag:s19] =	ssyncset.done $0x0  }
0x57: {  	s0 =	sadd.s32 s30, s17;
	[sflag:s19] =	ssyncadd.s32 $0xFFFFE000  }
0x58: {  	[tilespmem:s3], [sflag:$0x2] =	stream.linear.gather [hbm4b:s0+s3], $0x80, $0x38;
	[tilespmem:$0xE100] =	vst v63  }
0x59: {  	_ =	swait.ge [sflag:s19], $0x80  }
0x5a: {  	[sflag:s19] =	ssyncset.done $0x0  }
0x5b: {  	s30 =	sadd.s32 s30, s16;
	[sflag:s19] =	ssyncadd.s32 $0xFFFFFF80  }
0x5c: {  	[tilespmem:s20], [sflag:$0x2] =	stream.linear.gather [hbm4b:s30+s3], $0x80, $0x38;
	[tilespmem:$0xE100] =	vst v63  }
0x5d: {  	_ =	swait.ge [sflag:s19], $0x80  }
0x5e: {  	[sflag:s19] =	ssyncset.done $0x0  }
0x5f: {  	[sflag:s19] =	ssyncadd.s32 $0xFFFFFF80  }
0x60: {  	[tilespmem:s26], [sflag:$0x1] =	stream.indirect.gather [hbm4b:s4+s20], $0x40, s3, s20, $0xb8;
	[tilespmem:$0xE100] =	vst v63  }
0x61: {  	_ =	swait.ge [sflag:s28], $0x2000  }
0x62: {  	[sflag:s28] =	ssyncset.done $0x0  }
0x63: {  	[sflag:s28] =	ssyncadd.s32 $0xFFFFE000  }
0x64: {  	[spmem:s2] =	stream.indirect.scatter.add.f32 [tilespmem:s26], [sflag:$0x2], $0x40, s20, s20, $0xb8;
	[tilespmem:$0xE100] =	vst v63  }
0x65: {  	_ =	swait.ge [sflag:s19], $0x2000  }
0x66: {  	[sflag:s19] =	ssyncset.done $0x0  }
0x67: {  	s31 =	stileid.u32;
	[sflag:s19] =	ssyncadd.s32 $0xFFFFE000  }
0x68: {  	s0 =	sshll.u32 s31, $0x6;
	[bflag:$0x0] =	sbarrier.arrive $0xFFFF  }
0x69: {  	s0 =	sor.u32 $0x1C02, s0;
	s1 =	rddreg [dreg:$0x3]  }
0x6a: {  	[hbm:s1], [sflag:s0] =	dma.local [spmem:s21], $0x400  }
0x6b: {  	_ =	swait.ge [sflag:s19], $0x400  }
0x6c: {  	[sflag:s19] =	ssyncset.done $0x0  }
0x6d: {  	[sflag:s19] =	ssyncadd.s32 $0xFFFFFC00  }
0x6e: {  	[hbm:s12], [sflag:s0] =	dma.local [spmem:s22], $0x400  }
0x6f: {  	_ =	swait.ge [sflag:s19], $0x400  }
0x70: {  	[sflag:s19] =	ssyncset.done $0x0  }
0x71: {  	[sflag:s19] =	ssyncadd.s32 $0xFFFFFC00  }
0x72: {  	[hbm:s13], [sflag:s0] =	dma.local [spmem:s23], $0x400  }
0x73: {  	_ =	swait.ge [sflag:s19], $0x400  }
0x74: {  	[sflag:s19] =	ssyncset.done $0x0  }
0x75: {  	[sflag:s19] =	ssyncadd.s32 $0xFFFFFC00  }
0x76: {  	[hbm:s14], [sflag:s0] =	dma.local [spmem:s24], $0x400  }
0x77: {  	s29 =	sadd.s32 $0x1, s29;
	_ =	swait.ge [sflag:s19], $0x400  }
0x78: {  	p0 =	sne.s32 s29, s7;
	[sflag:s19] =	ssyncset.done $0x0  }
.Ltmp2:
0x79: {  	[sflag:s19] =	ssyncadd.s32 $0xFFFFFC00;
	(pc) =	sbr.rel @p0 .LBB2_1-.Ltmp2, $4  }
0x7a: {  	[hbm:s15], [sflag:s0] =	dma.local [spmem:s25], $0x400  }
0x7b: {  	_ =	swait.ge [sflag:s19], $0x400  }
0x7c: {  	[sflag:s19] =	ssyncset.done $0x0  }
0x7d: {  	[sflag:s19] =	ssyncadd.s32 $0xFFFFFC00  }
0x7e: {  	_ =	sfence.sel $0x180000  }
0x7f: {  	[bflag:$0x0] =	sbarrier.arrive $0xFFFF  }
0x80: {  	_ =	strace $0x90000050  }
0x81: {  	s0 =	stileid.u32;
	[bflag:$0x2] =	sbarrier.arrive $0xFFFF  }
0x82: {  	p0 =	sne.s32 s0, $0x0;
	s0 =	rddreg [dreg:$0x2]  }
0x83: {  	s0 =	sadd.s32 @!p0 $0x100000, s0  }
0x84: {  	[sflag:s0] =	ssyncadd.tile.s32 @!p0 $0x1;
	_ =	shalt  }
.Lfunc_end2:
_tile_overlayer_lowered:
.L_overlay_start_2:
0x85: {  	(tag) =	ssettag $0x2  }
0x86: {  	s0 =	rddreg [dreg:$0x0];
	s2 =	stileid.u32  }
0x87: {  	s1 =	rddreg [dreg:$0x1];
	p0 =	sne.s32 s2, $0x0  }
0x88: {  	s3 =	rddreg [dreg:$0x2];
	[bflag:$0x3] =	sbarrier.arrive $0xFFFF;
	s2 =	simm.s32 @!p0 $0x1C02  }
0x89: {  	[timem:s3], [sflag:s2] =	dma.local @!p0 [hbm:s0], s1  }
0x8a: {  	s0 =	simm.s32 @!p0 $0x2  }
0x8b: {  	_ =	swait.ge @!p0 [sflag:s0], s1  }
0x8c: {  	s1 =	ssub.s32 @!p0 $0x0, s1;
	[sflag:s0] =	ssyncset.done @!p0 $0x0  }
0x8d: {  	[sflag:s0] =	ssyncadd.s32 @!p0 s1  }
0x8e: {  	[bflag:$0x3] =	sbarrier.arrive $0xFFFF  }
0x8f: {  	_ =	shalt  }

</sc_bundles>
